<compile_context>
chip_gen: v7x
topology: tpu7x:2x2x1
jax: 0.10.2.dev20260603
libtpu: 0.0.44.dev20260713+nightly
codegen_flags: <defaults>
</compile_context>

<pallas_src>
import functools

import jax
import jax.numpy as jnp
import numpy as np
from jax import lax
from jax.experimental import pallas as pl
from jax.experimental.pallas import tpu as pltpu
from jax.experimental.pallas import tpu_sc as plsc

N = 10000
D = 128
E = 320000

NC = 2
NS = 16
NW = NC * NS
K = 128
C = 79
E_PAD = NW * C * K
N_ACC = 10240
ROWS_PER_TILE = N_ACC // NS
ZCH = 128

BN_SCALE = float(1.0 / np.sqrt(1.0 + 1e-5))


def _sc_edge_pass(with_deg):
  out_type = [jax.ShapeDtypeStruct((NC, N_ACC, D), jnp.float32)]
  if with_deg:
    out_type.append(jax.ShapeDtypeStruct((NC, N_ACC, D), jnp.float32))

  scratch = [
      pltpu.VMEM((1, K), jnp.int32),
      pltpu.VMEM((1, K), jnp.int32),
      pltpu.VMEM((K, D), jnp.float32),
      pltpu.VMEM_SHARED((N_ACC, D), jnp.float32),
      pltpu.SemaphoreType.DMA,
  ]

  def body(*refs):
    if with_deg:
      (table, src, dst, zrows, ones_hbm,
       acc_out, deg_out, src_v, dst_v, rows_v, acc_sh, sem) = refs
    else:
      table, src, dst, zrows, acc_out, src_v, dst_v, rows_v, acc_sh, sem = refs

    c = lax.axis_index("c")
    s = lax.axis_index("s")
    wid = c * NS + s

    def zero_acc():
      pltpu.sync_copy(zrows, rows_v)
      for b in range(ROWS_PER_TILE // ZCH):
        pltpu.sync_copy(rows_v,
                        acc_sh.at[pl.ds(s * ROWS_PER_TILE + b * ZCH, ZCH)])

    def copy_out(dst_hbm):
      for b in range(ROWS_PER_TILE // ZCH):
        r0 = s * ROWS_PER_TILE + b * ZCH
        pltpu.sync_copy(acc_sh.at[pl.ds(r0, ZCH)], rows_v)
        pltpu.sync_copy(rows_v, dst_hbm.at[c, pl.ds(r0, ZCH)])

    zero_acc()
    plsc.subcore_barrier()

    def chunk(j, carry):
      pltpu.sync_copy(src.at[wid, j], src_v.at[0])
      pltpu.sync_copy(dst.at[wid, j], dst_v.at[0])
      pltpu.async_copy(table.at[src_v.at[0]], rows_v, sem).wait()
      pltpu.sync_copy(rows_v, acc_sh.at[dst_v.at[0]], add=True)
      return carry

    lax.fori_loop(0, C, chunk, 0)
    plsc.subcore_barrier()
    copy_out(acc_out)

    if with_deg:
      plsc.subcore_barrier()
      zero_acc()
      plsc.subcore_barrier()
      pltpu.sync_copy(ones_hbm, rows_v)

      def dchunk(j, carry):
        pltpu.sync_copy(dst.at[wid, j], dst_v.at[0])
        pltpu.sync_copy(rows_v, acc_sh.at[dst_v.at[0]], add=True)
        return carry

      lax.fori_loop(0, C, dchunk, 0)
      plsc.subcore_barrier()
      copy_out(deg_out)

  mesh = plsc.VectorSubcoreMesh(core_axis_name="c", subcore_axis_name="s",
                                num_cores=NC, num_subcores=NS)
  return pl.kernel(body, out_type=tuple(out_type), mesh=mesh,
                   scratch_types=scratch)


@functools.cache
def _sc_pass_deg():
  return _sc_edge_pass(with_deg=True)


@functools.cache
def _sc_pass():
  return _sc_edge_pass(with_deg=False)


def _tc_dense1(acc_ref, deg_ref, x_ref, wlT_ref, wrT_ref, b_ref, g_ref,
               be_ref, o_ref):
  deg = deg_ref[0, :, :1] + deg_ref[1, :, :1]
  deg = jnp.maximum(deg, 1.0)
  agg = (acc_ref[0] + acc_ref[1]) / deg
  h = (jnp.dot(agg, wlT_ref[...], preferred_element_type=jnp.float32)
       + jnp.dot(x_ref[...], wrT_ref[...], preferred_element_type=jnp.float32)
       + b_ref[...])
  h = h * (g_ref[...] * BN_SCALE) + be_ref[...]
  o_ref[...] = jnp.maximum(h, 0.0)


def _tc_dense2(acc_ref, deg_ref, x_ref, wlT_ref, wrT_ref, b_ref, o_ref):
  deg = deg_ref[0, :, :1] + deg_ref[1, :, :1]
  deg = jnp.maximum(deg, 1.0)
  agg = (acc_ref[0] + acc_ref[1]) / deg
  o_ref[...] = (jnp.dot(agg, wlT_ref[...], preferred_element_type=jnp.float32)
                + jnp.dot(x_ref[...], wrT_ref[...],
                          preferred_element_type=jnp.float32)
                + b_ref[...])


_TC_R = 256
_TC_GRID = N_ACC // _TC_R

_row_spec = pl.BlockSpec((_TC_R, D), lambda i: (i, 0))
_acc_spec = pl.BlockSpec((NC, _TC_R, D), lambda i: (0, i, 0))
_deg_spec = pl.BlockSpec((NC, _TC_R, D), lambda i: (0, i, 0))
_w_spec = pl.BlockSpec((D, D), lambda i: (0, 0))
_v_spec = pl.BlockSpec((1, D), lambda i: (0, 0))

_dense1_call = pl.pallas_call(
    _tc_dense1,
    grid=(_TC_GRID,),
    in_specs=[_acc_spec, _deg_spec, _row_spec, _w_spec, _w_spec, _v_spec,
              _v_spec, _v_spec],
    out_specs=_row_spec,
    out_shape=jax.ShapeDtypeStruct((N_ACC, D), jnp.float32),
)

_dense2_call = pl.pallas_call(
    _tc_dense2,
    grid=(_TC_GRID,),
    in_specs=[_acc_spec, _deg_spec, _row_spec, _w_spec, _w_spec, _v_spec],
    out_specs=_row_spec,
    out_shape=jax.ShapeDtypeStruct((N_ACC, D), jnp.float32),
)


def kernel(x, edge_index, Wl1, Wr1, b1, gamma1, beta1, Wl2, Wr2, b2):
  src = edge_index[0].astype(jnp.int32)
  dst = edge_index[1].astype(jnp.int32)
  pad = E_PAD - E
  src_p = jnp.concatenate([src, jnp.zeros((pad,), jnp.int32)])
  dst_p = jnp.concatenate([dst, jnp.full((pad,), N, jnp.int32)])
  src3 = src_p.reshape(NW, C, K)
  dst3 = dst_p.reshape(NW, C, K)

  x_pad = jnp.zeros((N_ACC, D), jnp.float32).at[:N].set(x)
  zrows = jnp.zeros((ZCH, D), jnp.float32)
  ones_rows = jnp.ones((K, D), jnp.float32)

  acc1, deg = _sc_pass_deg()(x_pad, src3, dst3, zrows, ones_rows)
  h = _dense1_call(acc1, deg, x_pad, Wl1.T, Wr1.T, b1.reshape(1, D),
                   gamma1.reshape(1, D), beta1.reshape(1, D))
  (acc2,) = _sc_pass()(h, src3, dst3, zrows)
  out = _dense2_call(acc2, deg, h, Wl2.T, Wr2.T, b2.reshape(1, D))
  return out[:N]

# --- scband reference (transcript-rebuilt; emitter-appended) ---
"""Pipeline reference for scband-inductive-model-52441550684206 (READ-ONLY COPY).

The authoritative reference and input builder live on the scoring server;
editing this copy changes nothing except your own understanding.
"""

import jax, jax.numpy as jnp
import numpy as np

N_NODES = 10000
N_EDGES = 320000
D = 128


def setup_inputs(seed: int = 0) -> dict:
    key = jax.random.key(seed)
    ks = jax.random.split(key, 12)
    x = jax.random.normal(ks[0], (N_NODES, D), dtype=jnp.float32)
    edge_index = jax.random.randint(ks[1], (2, N_EDGES), 0, N_NODES, dtype=jnp.int64 if jax.config.jax_enable_x64 else jnp.int32)
    s = 1.0 / np.sqrt(D)
    Wl1 = jax.random.uniform(ks[2], (D, D), jnp.float32, -s, s)
    Wr1 = jax.random.uniform(ks[3], (D, D), jnp.float32, -s, s)
    b1 = jax.random.uniform(ks[4], (D,), jnp.float32, -s, s)
    gamma1 = jnp.ones((D,), jnp.float32)
    beta1 = jnp.zeros((D,), jnp.float32)
    Wl2 = jax.random.uniform(ks[5], (D, D), jnp.float32, -s, s)
    Wr2 = jax.random.uniform(ks[6], (D, D), jnp.float32, -s, s)
    b2 = jax.random.uniform(ks[7], (D,), jnp.float32, -s, s)
    return {"x": x, "edge_index": edge_index, "Wl1": Wl1, "Wr1": Wr1, "b1": b1,
            "gamma1": gamma1, "beta1": beta1, "Wl2": Wl2, "Wr2": Wr2, "b2": b2}


def _sage_conv(x, edge_index, Wl, Wr, b):
    # PyG SAGEConv with mean aggregation:
    #   out = lin_l(mean_{j in N(i)} x_j) + lin_r(x_i)
    src = edge_index[0]
    dst = edge_index[1]
    n = x.shape[0]
    msgs = jnp.take(x, src, axis=0)                      # gather source features
    agg_sum = jax.ops.segment_sum(msgs, dst, num_segments=n)  # scatter-add by dst
    deg = jax.ops.segment_sum(jnp.ones((src.shape[0],), x.dtype), dst, num_segments=n)
    agg = agg_sum / jnp.clip(deg, 1.0)[:, None]
    return agg @ Wl.T + b + x @ Wr.T


def _batchnorm_eval(h, gamma, beta, eps=1e-5):
    # BatchNorm1d in eval mode with running_mean=0, running_var=1
    return (h - 0.0) / jnp.sqrt(1.0 + eps) * gamma + beta


def reference(x, edge_index, Wl1, Wr1, b1, gamma1, beta1, Wl2, Wr2, b2):
    h = _sage_conv(x, edge_index, Wl1, Wr1, b1)
    h = _batchnorm_eval(h, gamma1, beta1)
    h = jax.nn.relu(h)
    # dropout is identity in eval mode
    out = _sage_conv(h, edge_index, Wl2, Wr2, b2)
    return out

if __name__ == "__main__":
    import jax
    _d = setup_inputs()
    print(jax.jit(kernel)(*tuple(_d.values())))

</pallas_src>

<mosaic_0001>
#map = affine_map<(d0, d1) -> (0, 0)>
#map1 = affine_map<(d0, d1) -> (0, 0, 0)>
module attributes {stable_mosaic.version = 14 : i64} {
  func.func @body(%arg0: i32, %arg1: i32, %arg2: memref<10240x128xf32, #tpu.memory_space<hbm>>, %arg3: memref<32x79x128xi32, #tpu.memory_space<hbm>>, %arg4: memref<32x79x128xi32, #tpu.memory_space<hbm>>, %arg5: memref<128x128xf32, #tpu.memory_space<hbm>>, %arg6: memref<128x128xf32, #tpu.memory_space<hbm>>, %arg7: memref<2x10240x128xf32, #tpu.memory_space<hbm>>, %arg8: memref<2x10240x128xf32, #tpu.memory_space<hbm>>, %arg9: memref<1x128xi32, #tpu.memory_space<vmem>>, %arg10: memref<1x128xi32, #tpu.memory_space<vmem>>, %arg11: memref<128x128xf32, #tpu.memory_space<vmem>>, %arg12: memref<10240x128xf32, #tpu.memory_space<vmem_shared>>, %arg13: memref<!tpu.dma_semaphore, #tpu.memory_space<semaphore_mem>>) attributes {dimension_semantics = [#tpu.dimension_semantics<core_parallel>, #tpu.dimension_semantics<subcore_parallel>], iteration_bounds = array<i64: 2, 16>, scalar_prefetch = 0 : i64, scratch_operands = 5 : i64, tpu.core_type = #tpu.core_type<sc_vector_subcore>, window_params = [{transform_indices = #map}, {transform_indices = #map1}, {transform_indices = #map1}, {transform_indices = #map}, {transform_indices = #map}, {transform_indices = #map1}, {transform_indices = #map1}]} {
    %mul3A = arith.constant 16 : i32
    %mul3A_0 = arith.muli %arg0, %mul3A : i32
    %add3A = arith.addi %mul3A_0, %arg1 : i32
    "tpu.region"() ({
      %run_scoped3A = tpu.sem_alloc : memref<!tpu.dma_semaphore, #tpu.memory_space<semaphore_mem>>
      tpu.enqueue_dma source(%arg5 : memref<128x128xf32, #tpu.memory_space<hbm>>) target(%arg11 : memref<128x128xf32, #tpu.memory_space<vmem>>) target_semaphore(%run_scoped3A : memref<!tpu.dma_semaphore, #tpu.memory_space<semaphore_mem>>)
      tpu.wait_dma2 semaphore(%run_scoped3A : memref<!tpu.dma_semaphore, #tpu.memory_space<semaphore_mem>>) src(%arg5 : memref<128x128xf32, #tpu.memory_space<hbm>>) dst(%arg11 : memref<128x128xf32, #tpu.memory_space<vmem>>)
      tpu.yield
    }) : () -> ()
    %mul3A_1 = arith.constant 640 : i32
    %mul3A_2 = arith.muli %arg1, %mul3A_1 : i32
    %add3A_3 = arith.constant 0 : i32
    %add3A_4 = arith.addi %mul3A_2, %add3A_3 : i32
    "tpu.region"() ({
      %run_scoped3A = tpu.sem_alloc : memref<!tpu.dma_semaphore, #tpu.memory_space<semaphore_mem>>
      %dma_start3A = arith.constant 0 : i32
      %dma_start3A_96 = tpu.memref_slice %arg12[%add3A_4, %dma_start3A] : memref<10240x128xf32, #tpu.memory_space<vmem_shared>> -> memref<128x128xf32, #tpu.memory_space<vmem_shared>>
      %dma_start3A_97 = arith.constant 0 : i32
      %dma_start3A_98 = tpu.memref_slice %arg12[%add3A_4, %dma_start3A_97] : memref<10240x128xf32, #tpu.memory_space<vmem_shared>> -> memref<128x128xf32, #tpu.memory_space<vmem_shared>>
      tpu.enqueue_dma source(%arg11 : memref<128x128xf32, #tpu.memory_space<vmem>>) target(%dma_start3A_98 : memref<128x128xf32, #tpu.memory_space<vmem_shared>>) target_semaphore(%run_scoped3A : memref<!tpu.dma_semaphore, #tpu.memory_space<semaphore_mem>>)
      %dma_wait3A = arith.constant 0 : i32
      %dma_wait3A_99 = tpu.memref_slice %arg12[%add3A_4, %dma_wait3A] : memref<10240x128xf32, #tpu.memory_space<vmem_shared>> -> memref<128x128xf32, #tpu.memory_space<vmem_shared>>
      %dma_wait3A_100 = arith.constant 0 : i32
      %dma_wait3A_101 = tpu.memref_slice %arg12[%add3A_4, %dma_wait3A_100] : memref<10240x128xf32, #tpu.memory_space<vmem_shared>> -> memref<128x128xf32, #tpu.memory_space<vmem_shared>>
      tpu.wait_dma2 semaphore(%run_scoped3A : memref<!tpu.dma_semaphore, #tpu.memory_space<semaphore_mem>>) src(%arg11 : memref<128x128xf32, #tpu.memory_space<vmem>>) dst(%dma_wait3A_101 : memref<128x128xf32, #tpu.memory_space<vmem_shared>>)
      tpu.yield
    }) : () -> ()
    %mul3A_5 = arith.constant 640 : i32
    %mul3A_6 = arith.muli %arg1, %mul3A_5 : i32
    %add3A_7 = arith.constant 128 : i32
    %add3A_8 = arith.addi %mul3A_6, %add3A_7 : i32
    "tpu.region"() ({
      %run_scoped3A = tpu.sem_alloc : memref<!tpu.dma_semaphore, #tpu.memory_space<semaphore_mem>>
      %dma_start3A = arith.constant 0 : i32
      %dma_start3A_96 = tpu.memref_slice %arg12[%add3A_8, %dma_start3A] : memref<10240x128xf32, #tpu.memory_space<vmem_shared>> -> memref<128x128xf32, #tpu.memory_space<vmem_shared>>
      %dma_start3A_97 = arith.constant 0 : i32
      %dma_start3A_98 = tpu.memref_slice %arg12[%add3A_8, %dma_start3A_97] : memref<10240x128xf32, #tpu.memory_space<vmem_shared>> -> memref<128x128xf32, #tpu.memory_space<vmem_shared>>
      tpu.enqueue_dma source(%arg11 : memref<128x128xf32, #tpu.memory_space<vmem>>) target(%dma_start3A_98 : memref<128x128xf32, #tpu.memory_space<vmem_shared>>) target_semaphore(%run_scoped3A : memref<!tpu.dma_semaphore, #tpu.memory_space<semaphore_mem>>)
      %dma_wait3A = arith.constant 0 : i32
      %dma_wait3A_99 = tpu.memref_slice %arg12[%add3A_8, %dma_wait3A] : memref<10240x128xf32, #tpu.memory_space<vmem_shared>> -> memref<128x128xf32, #tpu.memory_space<vmem_shared>>
      %dma_wait3A_100 = arith.constant 0 : i32
      %dma_wait3A_101 = tpu.memref_slice %arg12[%add3A_8, %dma_wait3A_100] : memref<10240x128xf32, #tpu.memory_space<vmem_shared>> -> memref<128x128xf32, #tpu.memory_space<vmem_shared>>
      tpu.wait_dma2 semaphore(%run_scoped3A : memref<!tpu.dma_semaphore, #tpu.memory_space<semaphore_mem>>) src(%arg11 : memref<128x128xf32, #tpu.memory_space<vmem>>) dst(%dma_wait3A_101 : memref<128x128xf32, #tpu.memory_space<vmem_shared>>)
      tpu.yield
    }) : () -> ()
    %mul3A_9 = arith.constant 640 : i32
    %mul3A_10 = arith.muli %arg1, %mul3A_9 : i32
    %add3A_11 = arith.constant 256 : i32
    %add3A_12 = arith.addi %mul3A_10, %add3A_11 : i32
    "tpu.region"() ({
      %run_scoped3A = tpu.sem_alloc : memref<!tpu.dma_semaphore, #tpu.memory_space<semaphore_mem>>
      %dma_start3A = arith.constant 0 : i32
      %dma_start3A_96 = tpu.memref_slice %arg12[%add3A_12, %dma_start3A] : memref<10240x128xf32, #tpu.memory_space<vmem_shared>> -> memref<128x128xf32, #tpu.memory_space<vmem_shared>>
      %dma_start3A_97 = arith.constant 0 : i32
      %dma_start3A_98 = tpu.memref_slice %arg12[%add3A_12, %dma_start3A_97] : memref<10240x128xf32, #tpu.memory_space<vmem_shared>> -> memref<128x128xf32, #tpu.memory_space<vmem_shared>>
      tpu.enqueue_dma source(%arg11 : memref<128x128xf32, #tpu.memory_space<vmem>>) target(%dma_start3A_98 : memref<128x128xf32, #tpu.memory_space<vmem_shared>>) target_semaphore(%run_scoped3A : memref<!tpu.dma_semaphore, #tpu.memory_space<semaphore_mem>>)
      %dma_wait3A = arith.constant 0 : i32
      %dma_wait3A_99 = tpu.memref_slice %arg12[%add3A_12, %dma_wait3A] : memref<10240x128xf32, #tpu.memory_space<vmem_shared>> -> memref<128x128xf32, #tpu.memory_space<vmem_shared>>
      %dma_wait3A_100 = arith.constant 0 : i32
      %dma_wait3A_101 = tpu.memref_slice %arg12[%add3A_12, %dma_wait3A_100] : memref<10240x128xf32, #tpu.memory_space<vmem_shared>> -> memref<128x128xf32, #tpu.memory_space<vmem_shared>>
      tpu.wait_dma2 semaphore(%run_scoped3A : memref<!tpu.dma_semaphore, #tpu.memory_space<semaphore_mem>>) src(%arg11 : memref<128x128xf32, #tpu.memory_space<vmem>>) dst(%dma_wait3A_101 : memref<128x128xf32, #tpu.memory_space<vmem_shared>>)
      tpu.yield
    }) : () -> ()
    %mul3A_13 = arith.constant 640 : i32
    %mul3A_14 = arith.muli %arg1, %mul3A_13 : i32
    %add3A_15 = arith.constant 384 : i32
    %add3A_16 = arith.addi %mul3A_14, %add3A_15 : i32
    "tpu.region"() ({
      %run_scoped3A = tpu.sem_alloc : memref<!tpu.dma_semaphore, #tpu.memory_space<semaphore_mem>>
      %dma_start3A = arith.constant 0 : i32
      %dma_start3A_96 = tpu.memref_slice %arg12[%add3A_16, %dma_start3A] : memref<10240x128xf32, #tpu.memory_space<vmem_shared>> -> memref<128x128xf32, #tpu.memory_space<vmem_shared>>
      %dma_start3A_97 = arith.constant 0 : i32
      %dma_start3A_98 = tpu.memref_slice %arg12[%add3A_16, %dma_start3A_97] : memref<10240x128xf32, #tpu.memory_space<vmem_shared>> -> memref<128x128xf32, #tpu.memory_space<vmem_shared>>
      tpu.enqueue_dma source(%arg11 : memref<128x128xf32, #tpu.memory_space<vmem>>) target(%dma_start3A_98 : memref<128x128xf32, #tpu.memory_space<vmem_shared>>) target_semaphore(%run_scoped3A : memref<!tpu.dma_semaphore, #tpu.memory_space<semaphore_mem>>)
      %dma_wait3A = arith.constant 0 : i32
      %dma_wait3A_99 = tpu.memref_slice %arg12[%add3A_16, %dma_wait3A] : memref<10240x128xf32, #tpu.memory_space<vmem_shared>> -> memref<128x128xf32, #tpu.memory_space<vmem_shared>>
      %dma_wait3A_100 = arith.constant 0 : i32
      %dma_wait3A_101 = tpu.memref_slice %arg12[%add3A_16, %dma_wait3A_100] : memref<10240x128xf32, #tpu.memory_space<vmem_shared>> -> memref<128x128xf32, #tpu.memory_space<vmem_shared>>
      tpu.wait_dma2 semaphore(%run_scoped3A : memref<!tpu.dma_semaphore, #tpu.memory_space<semaphore_mem>>) src(%arg11 : memref<128x128xf32, #tpu.memory_space<vmem>>) dst(%dma_wait3A_101 : memref<128x128xf32, #tpu.memory_space<vmem_shared>>)
      tpu.yield
    }) : () -> ()
    %mul3A_17 = arith.constant 640 : i32
    %mul3A_18 = arith.muli %arg1, %mul3A_17 : i32
    %add3A_19 = arith.constant 512 : i32
    %add3A_20 = arith.addi %mul3A_18, %add3A_19 : i32
    "tpu.region"() ({
      %run_scoped3A = tpu.sem_alloc : memref<!tpu.dma_semaphore, #tpu.memory_space<semaphore_mem>>
      %dma_start3A = arith.constant 0 : i32
      %dma_start3A_96 = tpu.memref_slice %arg12[%add3A_20, %dma_start3A] : memref<10240x128xf32, #tpu.memory_space<vmem_shared>> -> memref<128x128xf32, #tpu.memory_space<vmem_shared>>
      %dma_start3A_97 = arith.constant 0 : i32
      %dma_start3A_98 = tpu.memref_slice %arg12[%add3A_20, %dma_start3A_97] : memref<10240x128xf32, #tpu.memory_space<vmem_shared>> -> memref<128x128xf32, #tpu.memory_space<vmem_shared>>
      tpu.enqueue_dma source(%arg11 : memref<128x128xf32, #tpu.memory_space<vmem>>) target(%dma_start3A_98 : memref<128x128xf32, #tpu.memory_space<vmem_shared>>) target_semaphore(%run_scoped3A : memref<!tpu.dma_semaphore, #tpu.memory_space<semaphore_mem>>)
      %dma_wait3A = arith.constant 0 : i32
      %dma_wait3A_99 = tpu.memref_slice %arg12[%add3A_20, %dma_wait3A] : memref<10240x128xf32, #tpu.memory_space<vmem_shared>> -> memref<128x128xf32, #tpu.memory_space<vmem_shared>>
      %dma_wait3A_100 = arith.constant 0 : i32
      %dma_wait3A_101 = tpu.memref_slice %arg12[%add3A_20, %dma_wait3A_100] : memref<10240x128xf32, #tpu.memory_space<vmem_shared>> -> memref<128x128xf32, #tpu.memory_space<vmem_shared>>
      tpu.wait_dma2 semaphore(%run_scoped3A : memref<!tpu.dma_semaphore, #tpu.memory_space<semaphore_mem>>) src(%arg11 : memref<128x128xf32, #tpu.memory_space<vmem>>) dst(%dma_wait3A_101 : memref<128x128xf32, #tpu.memory_space<vmem_shared>>)
      tpu.yield
    }) : () -> ()
    %barrier3A = arith.constant 0 : index
    tpu.barrier barrier_id(%barrier3A)
    %scan3A = arith.constant 0 : i32
    %scan3A_21 = arith.constant 0 : i32
    %scan3A_22 = arith.constant 79 : i32
    %scan3A_23 = arith.addi %scan3A_21, %scan3A_22 : i32
    %scan3A_24 = arith.constant 1 : i32
    scf.for %scan3A_96 = %scan3A_21 to %scan3A_23 step %scan3A_24  : i32 {
      %run_scoped3A = arith.constant 0 : i32
      "tpu.region"() ({
        %run_scoped3A_111 = tpu.sem_alloc : memref<!tpu.dma_semaphore, #tpu.memory_space<semaphore_mem>>
        %dma_start3A_112 = arith.constant 0 : i32
        %dma_start3A_113 = tpu.memref_slice %arg9[%run_scoped3A, %dma_start3A_112] : memref<1x128xi32, #tpu.memory_space<vmem>> -> memref<1x128xi32, #tpu.memory_space<vmem>>
        %dma_start3A_114 = tpu.memref_squeeze %dma_start3A_113 : memref<1x128xi32, #tpu.memory_space<vmem>> -> memref<128xi32, #tpu.memory_space<vmem>>
        %dma_start3A_115 = arith.constant 0 : i32
        %dma_start3A_116 = tpu.memref_slice %arg3[%add3A, %scan3A_96, %dma_start3A_115] : memref<32x79x128xi32, #tpu.memory_space<hbm>> -> memref<1x1x128xi32, #tpu.memory_space<hbm>>
        %dma_start3A_117 = tpu.memref_squeeze %dma_start3A_116 : memref<1x1x128xi32, #tpu.memory_space<hbm>> -> memref<128xi32, #tpu.memory_space<hbm>>
        %dma_start3A_118 = arith.constant 0 : i32
        %dma_start3A_119 = tpu.memref_slice %arg9[%run_scoped3A, %dma_start3A_118] : memref<1x128xi32, #tpu.memory_space<vmem>> -> memref<1x128xi32, #tpu.memory_space<vmem>>
        %dma_start3A_120 = tpu.memref_squeeze %dma_start3A_119 : memref<1x128xi32, #tpu.memory_space<vmem>> -> memref<128xi32, #tpu.memory_space<vmem>>
        %dma_start3A_121 = arith.constant 0 : i32
        %dma_start3A_122 = tpu.memref_slice %arg3[%add3A, %scan3A_96, %dma_start3A_121] : memref<32x79x128xi32, #tpu.memory_space<hbm>> -> memref<1x1x128xi32, #tpu.memory_space<hbm>>
        %dma_start3A_123 = tpu.memref_squeeze %dma_start3A_122 : memref<1x1x128xi32, #tpu.memory_space<hbm>> -> memref<128xi32, #tpu.memory_space<hbm>>
        tpu.enqueue_dma source(%dma_start3A_123 : memref<128xi32, #tpu.memory_space<hbm>>) target(%dma_start3A_120 : memref<128xi32, #tpu.memory_space<vmem>>) target_semaphore(%run_scoped3A_111 : memref<!tpu.dma_semaphore, #tpu.memory_space<semaphore_mem>>)
        %dma_wait3A_124 = arith.constant 0 : i32
        %dma_wait3A_125 = tpu.memref_slice %arg9[%run_scoped3A, %dma_wait3A_124] : memref<1x128xi32, #tpu.memory_space<vmem>> -> memref<1x128xi32, #tpu.memory_space<vmem>>
        %dma_wait3A_126 = tpu.memref_squeeze %dma_wait3A_125 : memref<1x128xi32, #tpu.memory_space<vmem>> -> memref<128xi32, #tpu.memory_space<vmem>>
        %dma_wait3A_127 = arith.constant 0 : i32
        %dma_wait3A_128 = tpu.memref_slice %arg3[%add3A, %scan3A_96, %dma_wait3A_127] : memref<32x79x128xi32, #tpu.memory_space<hbm>> -> memref<1x1x128xi32, #tpu.memory_space<hbm>>
        %dma_wait3A_129 = tpu.memref_squeeze %dma_wait3A_128 : memref<1x1x128xi32, #tpu.memory_space<hbm>> -> memref<128xi32, #tpu.memory_space<hbm>>
        %dma_wait3A_130 = arith.constant 0 : i32
        %dma_wait3A_131 = tpu.memref_slice %arg9[%run_scoped3A, %dma_wait3A_130] : memref<1x128xi32, #tpu.memory_space<vmem>> -> memref<1x128xi32, #tpu.memory_space<vmem>>
        %dma_wait3A_132 = tpu.memref_squeeze %dma_wait3A_131 : memref<1x128xi32, #tpu.memory_space<vmem>> -> memref<128xi32, #tpu.memory_space<vmem>>
        %dma_wait3A_133 = arith.constant 0 : i32
        %dma_wait3A_134 = tpu.memref_slice %arg3[%add3A, %scan3A_96, %dma_wait3A_133] : memref<32x79x128xi32, #tpu.memory_space<hbm>> -> memref<1x1x128xi32, #tpu.memory_space<hbm>>
        %dma_wait3A_135 = tpu.memref_squeeze %dma_wait3A_134 : memref<1x1x128xi32, #tpu.memory_space<hbm>> -> memref<128xi32, #tpu.memory_space<hbm>>
        tpu.wait_dma2 semaphore(%run_scoped3A_111 : memref<!tpu.dma_semaphore, #tpu.memory_space<semaphore_mem>>) src(%dma_wait3A_135 : memref<128xi32, #tpu.memory_space<hbm>>) dst(%dma_wait3A_132 : memref<128xi32, #tpu.memory_space<vmem>>)
        tpu.yield
      }) : () -> ()
      %run_scoped3A_97 = arith.constant 0 : i32
      "tpu.region"() ({
        %run_scoped3A_111 = tpu.sem_alloc : memref<!tpu.dma_semaphore, #tpu.memory_space<semaphore_mem>>
        %dma_start3A_112 = arith.constant 0 : i32
        %dma_start3A_113 = tpu.memref_slice %arg10[%run_scoped3A_97, %dma_start3A_112] : memref<1x128xi32, #tpu.memory_space<vmem>> -> memref<1x128xi32, #tpu.memory_space<vmem>>
        %dma_start3A_114 = tpu.memref_squeeze %dma_start3A_113 : memref<1x128xi32, #tpu.memory_space<vmem>> -> memref<128xi32, #tpu.memory_space<vmem>>
        %dma_start3A_115 = arith.constant 0 : i32
        %dma_start3A_116 = tpu.memref_slice %arg4[%add3A, %scan3A_96, %dma_start3A_115] : memref<32x79x128xi32, #tpu.memory_space<hbm>> -> memref<1x1x128xi32, #tpu.memory_space<hbm>>
        %dma_start3A_117 = tpu.memref_squeeze %dma_start3A_116 : memref<1x1x128xi32, #tpu.memory_space<hbm>> -> memref<128xi32, #tpu.memory_space<hbm>>
        %dma_start3A_118 = arith.constant 0 : i32
        %dma_start3A_119 = tpu.memref_slice %arg10[%run_scoped3A_97, %dma_start3A_118] : memref<1x128xi32, #tpu.memory_space<vmem>> -> memref<1x128xi32, #tpu.memory_space<vmem>>
        %dma_start3A_120 = tpu.memref_squeeze %dma_start3A_119 : memref<1x128xi32, #tpu.memory_space<vmem>> -> memref<128xi32, #tpu.memory_space<vmem>>
        %dma_start3A_121 = arith.constant 0 : i32
        %dma_start3A_122 = tpu.memref_slice %arg4[%add3A, %scan3A_96, %dma_start3A_121] : memref<32x79x128xi32, #tpu.memory_space<hbm>> -> memref<1x1x128xi32, #tpu.memory_space<hbm>>
        %dma_start3A_123 = tpu.memref_squeeze %dma_start3A_122 : memref<1x1x128xi32, #tpu.memory_space<hbm>> -> memref<128xi32, #tpu.memory_space<hbm>>
        tpu.enqueue_dma source(%dma_start3A_123 : memref<128xi32, #tpu.memory_space<hbm>>) target(%dma_start3A_120 : memref<128xi32, #tpu.memory_space<vmem>>) target_semaphore(%run_scoped3A_111 : memref<!tpu.dma_semaphore, #tpu.memory_space<semaphore_mem>>)
        %dma_wait3A_124 = arith.constant 0 : i32
        %dma_wait3A_125 = tpu.memref_slice %arg10[%run_scoped3A_97, %dma_wait3A_124] : memref<1x128xi32, #tpu.memory_space<vmem>> -> memref<1x128xi32, #tpu.memory_space<vmem>>
        %dma_wait3A_126 = tpu.memref_squeeze %dma_wait3A_125 : memref<1x128xi32, #tpu.memory_space<vmem>> -> memref<128xi32, #tpu.memory_space<vmem>>
        %dma_wait3A_127 = arith.constant 0 : i32
        %dma_wait3A_128 = tpu.memref_slice %arg4[%add3A, %scan3A_96, %dma_wait3A_127] : memref<32x79x128xi32, #tpu.memory_space<hbm>> -> memref<1x1x128xi32, #tpu.memory_space<hbm>>
        %dma_wait3A_129 = tpu.memref_squeeze %dma_wait3A_128 : memref<1x1x128xi32, #tpu.memory_space<hbm>> -> memref<128xi32, #tpu.memory_space<hbm>>
        %dma_wait3A_130 = arith.constant 0 : i32
        %dma_wait3A_131 = tpu.memref_slice %arg10[%run_scoped3A_97, %dma_wait3A_130] : memref<1x128xi32, #tpu.memory_space<vmem>> -> memref<1x128xi32, #tpu.memory_space<vmem>>
        %dma_wait3A_132 = tpu.memref_squeeze %dma_wait3A_131 : memref<1x128xi32, #tpu.memory_space<vmem>> -> memref<128xi32, #tpu.memory_space<vmem>>
        %dma_wait3A_133 = arith.constant 0 : i32
        %dma_wait3A_134 = tpu.memref_slice %arg4[%add3A, %scan3A_96, %dma_wait3A_133] : memref<32x79x128xi32, #tpu.memory_space<hbm>> -> memref<1x1x128xi32, #tpu.memory_space<hbm>>
        %dma_wait3A_135 = tpu.memref_squeeze %dma_wait3A_134 : memref<1x1x128xi32, #tpu.memory_space<hbm>> -> memref<128xi32, #tpu.memory_space<hbm>>
        tpu.wait_dma2 semaphore(%run_scoped3A_111 : memref<!tpu.dma_semaphore, #tpu.memory_space<semaphore_mem>>) src(%dma_wait3A_135 : memref<128xi32, #tpu.memory_space<hbm>>) dst(%dma_wait3A_132 : memref<128xi32, #tpu.memory_space<vmem>>)
        tpu.yield
      }) : () -> ()
      %dma_start3A = arith.constant 0 : i32
      %dma_start3A_98 = arith.constant 0 : i32
      %dma_start3A_99 = tpu.memref_slice %arg9[%dma_start3A, %dma_start3A_98] : memref<1x128xi32, #tpu.memory_space<vmem>> -> memref<1x128xi32, #tpu.memory_space<vmem>>
      %dma_start3A_100 = tpu.memref_squeeze %dma_start3A_99 : memref<1x128xi32, #tpu.memory_space<vmem>> -> memref<128xi32, #tpu.memory_space<vmem>>
      %dma_start3A_101 = arith.constant 0 : i32
      %dma_start3A_102 = arith.constant 0 : i32
      %dma_start3A_103 = tpu.memref_slice %arg2[%dma_start3A_101, %dma_start3A_102] : memref<10240x128xf32, #tpu.memory_space<hbm>> -> memref<10240x128xf32, #tpu.memory_space<hbm>>
      tpu.enqueue_indirect_dma source(%dma_start3A_103 : memref<10240x128xf32, #tpu.memory_space<hbm>>) target(%arg11 : memref<128x128xf32, #tpu.memory_space<vmem>>) offsets(%dma_start3A_100 : memref<128xi32, #tpu.memory_space<vmem>>) semaphore(%arg13 : memref<!tpu.dma_semaphore, #tpu.memory_space<semaphore_mem>>)
      %dma_wait3A = arith.constant 0 : i32
      %dma_wait3A_104 = arith.constant 0 : i32
      %dma_wait3A_105 = tpu.memref_slice %arg9[%dma_wait3A, %dma_wait3A_104] : memref<1x128xi32, #tpu.memory_space<vmem>> -> memref<1x128xi32, #tpu.memory_space<vmem>>
      %dma_wait3A_106 = tpu.memref_squeeze %dma_wait3A_105 : memref<1x128xi32, #tpu.memory_space<vmem>> -> memref<128xi32, #tpu.memory_space<vmem>>
      %dma_wait3A_107 = arith.constant 0 : i32
      %dma_wait3A_108 = arith.constant 0 : i32
      %dma_wait3A_109 = tpu.memref_slice %arg2[%dma_wait3A_107, %dma_wait3A_108] : memref<10240x128xf32, #tpu.memory_space<hbm>> -> memref<10240x128xf32, #tpu.memory_space<hbm>>
      tpu.wait_indirect_dma semaphore(%arg13 : memref<!tpu.dma_semaphore, #tpu.memory_space<semaphore_mem>>) src(%dma_wait3A_109 : memref<10240x128xf32, #tpu.memory_space<hbm>>) dst(%arg11 : memref<128x128xf32, #tpu.memory_space<vmem>>)
      %run_scoped3A_110 = arith.constant 0 : i32
      "tpu.region"() ({
        %run_scoped3A_111 = tpu.sem_alloc : memref<!tpu.dma_semaphore, #tpu.memory_space<semaphore_mem>>
        %dma_start3A_112 = arith.constant 0 : i32
        %dma_start3A_113 = tpu.memref_slice %arg10[%run_scoped3A_110, %dma_start3A_112] : memref<1x128xi32, #tpu.memory_space<vmem>> -> memref<1x128xi32, #tpu.memory_space<vmem>>
        %dma_start3A_114 = tpu.memref_squeeze %dma_start3A_113 : memref<1x128xi32, #tpu.memory_space<vmem>> -> memref<128xi32, #tpu.memory_space<vmem>>
        %dma_start3A_115 = arith.constant 0 : i32
        %dma_start3A_116 = arith.constant 0 : i32
        %dma_start3A_117 = tpu.memref_slice %arg12[%dma_start3A_115, %dma_start3A_116] : memref<10240x128xf32, #tpu.memory_space<vmem_shared>> -> memref<10240x128xf32, #tpu.memory_space<vmem_shared>>
        tpu.enqueue_indirect_dma source(%arg11 : memref<128x128xf32, #tpu.memory_space<vmem>>) target(%dma_start3A_117 : memref<10240x128xf32, #tpu.memory_space<vmem_shared>>) offsets(%dma_start3A_114 : memref<128xi32, #tpu.memory_space<vmem>>) semaphore(%run_scoped3A_111 : memref<!tpu.dma_semaphore, #tpu.memory_space<semaphore_mem>>) {add = true}
        %dma_wait3A_118 = arith.constant 0 : i32
        %dma_wait3A_119 = tpu.memref_slice %arg10[%run_scoped3A_110, %dma_wait3A_118] : memref<1x128xi32, #tpu.memory_space<vmem>> -> memref<1x128xi32, #tpu.memory_space<vmem>>
        %dma_wait3A_120 = tpu.memref_squeeze %dma_wait3A_119 : memref<1x128xi32, #tpu.memory_space<vmem>> -> memref<128xi32, #tpu.memory_space<vmem>>
        %dma_wait3A_121 = arith.constant 0 : i32
        %dma_wait3A_122 = arith.constant 0 : i32
        %dma_wait3A_123 = tpu.memref_slice %arg12[%dma_wait3A_121, %dma_wait3A_122] : memref<10240x128xf32, #tpu.memory_space<vmem_shared>> -> memref<10240x128xf32, #tpu.memory_space<vmem_shared>>
        tpu.wait_indirect_dma semaphore(%run_scoped3A_111 : memref<!tpu.dma_semaphore, #tpu.memory_space<semaphore_mem>>) src(%arg11 : memref<128x128xf32, #tpu.memory_space<vmem>>) dst(%dma_wait3A_123 : memref<10240x128xf32, #tpu.memory_space<vmem_shared>>)
        tpu.yield
      }) : () -> ()
    }
    %scan3A_25 = arith.constant 79 : i32
    %barrier3A_26 = arith.constant 0 : index
    tpu.barrier barrier_id(%barrier3A_26)
    %mul3A_27 = arith.constant 640 : i32
    %mul3A_28 = arith.muli %arg1, %mul3A_27 : i32
    %add3A_29 = arith.constant 0 : i32
    %add3A_30 = arith.addi %mul3A_28, %add3A_29 : i32
    "tpu.region"() ({
      %run_scoped3A = tpu.sem_alloc : memref<!tpu.dma_semaphore, #tpu.memory_space<semaphore_mem>>
      %dma_start3A = arith.constant 0 : i32
      %dma_start3A_96 = tpu.memref_slice %arg12[%add3A_30, %dma_start3A] : memref<10240x128xf32, #tpu.memory_space<vmem_shared>> -> memref<128x128xf32, #tpu.memory_space<vmem_shared>>
      %dma_start3A_97 = arith.constant 0 : i32
      %dma_start3A_98 = tpu.memref_slice %arg12[%add3A_30, %dma_start3A_97] : memref<10240x128xf32, #tpu.memory_space<vmem_shared>> -> memref<128x128xf32, #tpu.memory_space<vmem_shared>>
      tpu.enqueue_dma source(%dma_start3A_98 : memref<128x128xf32, #tpu.memory_space<vmem_shared>>) target(%arg11 : memref<128x128xf32, #tpu.memory_space<vmem>>) target_semaphore(%run_scoped3A : memref<!tpu.dma_semaphore, #tpu.memory_space<semaphore_mem>>)
      %dma_wait3A = arith.constant 0 : i32
      %dma_wait3A_99 = tpu.memref_slice %arg12[%add3A_30, %dma_wait3A] : memref<10240x128xf32, #tpu.memory_space<vmem_shared>> -> memref<128x128xf32, #tpu.memory_space<vmem_shared>>
      %dma_wait3A_100 = arith.constant 0 : i32
      %dma_wait3A_101 = tpu.memref_slice %arg12[%add3A_30, %dma_wait3A_100] : memref<10240x128xf32, #tpu.memory_space<vmem_shared>> -> memref<128x128xf32, #tpu.memory_space<vmem_shared>>
      tpu.wait_dma2 semaphore(%run_scoped3A : memref<!tpu.dma_semaphore, #tpu.memory_space<semaphore_mem>>) src(%dma_wait3A_101 : memref<128x128xf32, #tpu.memory_space<vmem_shared>>) dst(%arg11 : memref<128x128xf32, #tpu.memory_space<vmem>>)
      tpu.yield
    }) : () -> ()
    "tpu.region"() ({
      %run_scoped3A = tpu.sem_alloc : memref<!tpu.dma_semaphore, #tpu.memory_space<semaphore_mem>>
      %dma_start3A = arith.constant 0 : i32
      %dma_start3A_96 = tpu.memref_slice %arg7[%arg0, %add3A_30, %dma_start3A] : memref<2x10240x128xf32, #tpu.memory_space<hbm>> -> memref<1x128x128xf32, #tpu.memory_space<hbm>>
      %dma_start3A_97 = tpu.memref_squeeze %dma_start3A_96 : memref<1x128x128xf32, #tpu.memory_space<hbm>> -> memref<128x128xf32, #tpu.memory_space<hbm>>
      %dma_start3A_98 = arith.constant 0 : i32
      %dma_start3A_99 = tpu.memref_slice %arg7[%arg0, %add3A_30, %dma_start3A_98] : memref<2x10240x128xf32, #tpu.memory_space<hbm>> -> memref<1x128x128xf32, #tpu.memory_space<hbm>>
      %dma_start3A_100 = tpu.memref_squeeze %dma_start3A_99 : memref<1x128x128xf32, #tpu.memory_space<hbm>> -> memref<128x128xf32, #tpu.memory_space<hbm>>
      tpu.enqueue_dma source(%arg11 : memref<128x128xf32, #tpu.memory_space<vmem>>) target(%dma_start3A_100 : memref<128x128xf32, #tpu.memory_space<hbm>>) target_semaphore(%run_scoped3A : memref<!tpu.dma_semaphore, #tpu.memory_space<semaphore_mem>>)
      %dma_wait3A = arith.constant 0 : i32
      %dma_wait3A_101 = tpu.memref_slice %arg7[%arg0, %add3A_30, %dma_wait3A] : memref<2x10240x128xf32, #tpu.memory_space<hbm>> -> memref<1x128x128xf32, #tpu.memory_space<hbm>>
      %dma_wait3A_102 = tpu.memref_squeeze %dma_wait3A_101 : memref<1x128x128xf32, #tpu.memory_space<hbm>> -> memref<128x128xf32, #tpu.memory_space<hbm>>
      %dma_wait3A_103 = arith.constant 0 : i32
      %dma_wait3A_104 = tpu.memref_slice %arg7[%arg0, %add3A_30, %dma_wait3A_103] : memref<2x10240x128xf32, #tpu.memory_space<hbm>> -> memref<1x128x128xf32, #tpu.memory_space<hbm>>
      %dma_wait3A_105 = tpu.memref_squeeze %dma_wait3A_104 : memref<1x128x128xf32, #tpu.memory_space<hbm>> -> memref<128x128xf32, #tpu.memory_space<hbm>>
      tpu.wait_dma2 semaphore(%run_scoped3A : memref<!tpu.dma_semaphore, #tpu.memory_space<semaphore_mem>>) src(%arg11 : memref<128x128xf32, #tpu.memory_space<vmem>>) dst(%dma_wait3A_105 : memref<128x128xf32, #tpu.memory_space<hbm>>)
      tpu.yield
    }) : () -> ()
    %mul3A_31 = arith.constant 640 : i32
    %mul3A_32 = arith.muli %arg1, %mul3A_31 : i32
    %add3A_33 = arith.constant 128 : i32
    %add3A_34 = arith.addi %mul3A_32, %add3A_33 : i32
    "tpu.region"() ({
      %run_scoped3A = tpu.sem_alloc : memref<!tpu.dma_semaphore, #tpu.memory_space<semaphore_mem>>
      %dma_start3A = arith.constant 0 : i32
      %dma_start3A_96 = tpu.memref_slice %arg12[%add3A_34, %dma_start3A] : memref<10240x128xf32, #tpu.memory_space<vmem_shared>> -> memref<128x128xf32, #tpu.memory_space<vmem_shared>>
      %dma_start3A_97 = arith.constant 0 : i32
      %dma_start3A_98 = tpu.memref_slice %arg12[%add3A_34, %dma_start3A_97] : memref<10240x128xf32, #tpu.memory_space<vmem_shared>> -> memref<128x128xf32, #tpu.memory_space<vmem_shared>>
      tpu.enqueue_dma source(%dma_start3A_98 : memref<128x128xf32, #tpu.memory_space<vmem_shared>>) target(%arg11 : memref<128x128xf32, #tpu.memory_space<vmem>>) target_semaphore(%run_scoped3A : memref<!tpu.dma_semaphore, #tpu.memory_space<semaphore_mem>>)
      %dma_wait3A = arith.constant 0 : i32
      %dma_wait3A_99 = tpu.memref_slice %arg12[%add3A_34, %dma_wait3A] : memref<10240x128xf32, #tpu.memory_space<vmem_shared>> -> memref<128x128xf32, #tpu.memory_space<vmem_shared>>
      %dma_wait3A_100 = arith.constant 0 : i32
      %dma_wait3A_101 = tpu.memref_slice %arg12[%add3A_34, %dma_wait3A_100] : memref<10240x128xf32, #tpu.memory_space<vmem_shared>> -> memref<128x128xf32, #tpu.memory_space<vmem_shared>>
      tpu.wait_dma2 semaphore(%run_scoped3A : memref<!tpu.dma_semaphore, #tpu.memory_space<semaphore_mem>>) src(%dma_wait3A_101 : memref<128x128xf32, #tpu.memory_space<vmem_shared>>) dst(%arg11 : memref<128x128xf32, #tpu.memory_space<vmem>>)
      tpu.yield
    }) : () -> ()
    "tpu.region"() ({
      %run_scoped3A = tpu.sem_alloc : memref<!tpu.dma_semaphore, #tpu.memory_space<semaphore_mem>>
      %dma_start3A = arith.constant 0 : i32
      %dma_start3A_96 = tpu.memref_slice %arg7[%arg0, %add3A_34, %dma_start3A] : memref<2x10240x128xf32, #tpu.memory_space<hbm>> -> memref<1x128x128xf32, #tpu.memory_space<hbm>>
      %dma_start3A_97 = tpu.memref_squeeze %dma_start3A_96 : memref<1x128x128xf32, #tpu.memory_space<hbm>> -> memref<128x128xf32, #tpu.memory_space<hbm>>
      %dma_start3A_98 = arith.constant 0 : i32
      %dma_start3A_99 = tpu.memref_slice %arg7[%arg0, %add3A_34, %dma_start3A_98] : memref<2x10240x128xf32, #tpu.memory_space<hbm>> -> memref<1x128x128xf32, #tpu.memory_space<hbm>>
      %dma_start3A_100 = tpu.memref_squeeze %dma_start3A_99 : memref<1x128x128xf32, #tpu.memory_space<hbm>> -> memref<128x128xf32, #tpu.memory_space<hbm>>
      tpu.enqueue_dma source(%arg11 : memref<128x128xf32, #tpu.memory_space<vmem>>) target(%dma_start3A_100 : memref<128x128xf32, #tpu.memory_space<hbm>>) target_semaphore(%run_scoped3A : memref<!tpu.dma_semaphore, #tpu.memory_space<semaphore_mem>>)
      %dma_wait3A = arith.constant 0 : i32
      %dma_wait3A_101 = tpu.memref_slice %arg7[%arg0, %add3A_34, %dma_wait3A] : memref<2x10240x128xf32, #tpu.memory_space<hbm>> -> memref<1x128x128xf32, #tpu.memory_space<hbm>>
      %dma_wait3A_102 = tpu.memref_squeeze %dma_wait3A_101 : memref<1x128x128xf32, #tpu.memory_space<hbm>> -> memref<128x128xf32, #tpu.memory_space<hbm>>
      %dma_wait3A_103 = arith.constant 0 : i32
      %dma_wait3A_104 = tpu.memref_slice %arg7[%arg0, %add3A_34, %dma_wait3A_103] : memref<2x10240x128xf32, #tpu.memory_space<hbm>> -> memref<1x128x128xf32, #tpu.memory_space<hbm>>
      %dma_wait3A_105 = tpu.memref_squeeze %dma_wait3A_104 : memref<1x128x128xf32, #tpu.memory_space<hbm>> -> memref<128x128xf32, #tpu.memory_space<hbm>>
      tpu.wait_dma2 semaphore(%run_scoped3A : memref<!tpu.dma_semaphore, #tpu.memory_space<semaphore_mem>>) src(%arg11 : memref<128x128xf32, #tpu.memory_space<vmem>>) dst(%dma_wait3A_105 : memref<128x128xf32, #tpu.memory_space<hbm>>)
      tpu.yield
    }) : () -> ()
    %mul3A_35 = arith.constant 640 : i32
    %mul3A_36 = arith.muli %arg1, %mul3A_35 : i32
    %add3A_37 = arith.constant 256 : i32
    %add3A_38 = arith.addi %mul3A_36, %add3A_37 : i32
    "tpu.region"() ({
      %run_scoped3A = tpu.sem_alloc : memref<!tpu.dma_semaphore, #tpu.memory_space<semaphore_mem>>
      %dma_start3A = arith.constant 0 : i32
      %dma_start3A_96 = tpu.memref_slice %arg12[%add3A_38, %dma_start3A] : memref<10240x128xf32, #tpu.memory_space<vmem_shared>> -> memref<128x128xf32, #tpu.memory_space<vmem_shared>>
      %dma_start3A_97 = arith.constant 0 : i32
      %dma_start3A_98 = tpu.memref_slice %arg12[%add3A_38, %dma_start3A_97] : memref<10240x128xf32, #tpu.memory_space<vmem_shared>> -> memref<128x128xf32, #tpu.memory_space<vmem_shared>>
      tpu.enqueue_dma source(%dma_start3A_98 : memref<128x128xf32, #tpu.memory_space<vmem_shared>>) target(%arg11 : memref<128x128xf32, #tpu.memory_space<vmem>>) target_semaphore(%run_scoped3A : memref<!tpu.dma_semaphore, #tpu.memory_space<semaphore_mem>>)
      %dma_wait3A = arith.constant 0 : i32
      %dma_wait3A_99 = tpu.memref_slice %arg12[%add3A_38, %dma_wait3A] : memref<10240x128xf32, #tpu.memory_space<vmem_shared>> -> memref<128x128xf32, #tpu.memory_space<vmem_shared>>
      %dma_wait3A_100 = arith.constant 0 : i32
      %dma_wait3A_101 = tpu.memref_slice %arg12[%add3A_38, %dma_wait3A_100] : memref<10240x128xf32, #tpu.memory_space<vmem_shared>> -> memref<128x128xf32, #tpu.memory_space<vmem_shared>>
      tpu.wait_dma2 semaphore(%run_scoped3A : memref<!tpu.dma_semaphore, #tpu.memory_space<semaphore_mem>>) src(%dma_wait3A_101 : memref<128x128xf32, #tpu.memory_space<vmem_shared>>) dst(%arg11 : memref<128x128xf32, #tpu.memory_space<vmem>>)
      tpu.yield
    }) : () -> ()
    "tpu.region"() ({
      %run_scoped3A = tpu.sem_alloc : memref<!tpu.dma_semaphore, #tpu.memory_space<semaphore_mem>>
      %dma_start3A = arith.constant 0 : i32
      %dma_start3A_96 = tpu.memref_slice %arg7[%arg0, %add3A_38, %dma_start3A] : memref<2x10240x128xf32, #tpu.memory_space<hbm>> -> memref<1x128x128xf32, #tpu.memory_space<hbm>>
      %dma_start3A_97 = tpu.memref_squeeze %dma_start3A_96 : memref<1x128x128xf32, #tpu.memory_space<hbm>> -> memref<128x128xf32, #tpu.memory_space<hbm>>
      %dma_start3A_98 = arith.constant 0 : i32
      %dma_start3A_99 = tpu.memref_slice %arg7[%arg0, %add3A_38, %dma_start3A_98] : memref<2x10240x128xf32, #tpu.memory_space<hbm>> -> memref<1x128x128xf32, #tpu.memory_space<hbm>>
      %dma_start3A_100 = tpu.memref_squeeze %dma_start3A_99 : memref<1x128x128xf32, #tpu.memory_space<hbm>> -> memref<128x128xf32, #tpu.memory_space<hbm>>
      tpu.enqueue_dma source(%arg11 : memref<128x128xf32, #tpu.memory_space<vmem>>) target(%dma_start3A_100 : memref<128x128xf32, #tpu.memory_space<hbm>>) target_semaphore(%run_scoped3A : memref<!tpu.dma_semaphore, #tpu.memory_space<semaphore_mem>>)
      %dma_wait3A = arith.constant 0 : i32
      %dma_wait3A_101 = tpu.memref_slice %arg7[%arg0, %add3A_38, %dma_wait3A] : memref<2x10240x128xf32, #tpu.memory_space<hbm>> -> memref<1x128x128xf32, #tpu.memory_space<hbm>>
      %dma_wait3A_102 = tpu.memref_squeeze %dma_wait3A_101 : memref<1x128x128xf32, #tpu.memory_space<hbm>> -> memref<128x128xf32, #tpu.memory_space<hbm>>
      %dma_wait3A_103 = arith.constant 0 : i32
      %dma_wait3A_104 = tpu.memref_slice %arg7[%arg0, %add3A_38, %dma_wait3A_103] : memref<2x10240x128xf32, #tpu.memory_space<hbm>> -> memref<1x128x128xf32, #tpu.memory_space<hbm>>
      %dma_wait3A_105 = tpu.memref_squeeze %dma_wait3A_104 : memref<1x128x128xf32, #tpu.memory_space<hbm>> -> memref<128x128xf32, #tpu.memory_space<hbm>>
      tpu.wait_dma2 semaphore(%run_scoped3A : memref<!tpu.dma_semaphore, #tpu.memory_space<semaphore_mem>>) src(%arg11 : memref<128x128xf32, #tpu.memory_space<vmem>>) dst(%dma_wait3A_105 : memref<128x128xf32, #tpu.memory_space<hbm>>)
      tpu.yield
    }) : () -> ()
    %mul3A_39 = arith.constant 640 : i32
    %mul3A_40 = arith.muli %arg1, %mul3A_39 : i32
    %add3A_41 = arith.constant 384 : i32
    %add3A_42 = arith.addi %mul3A_40, %add3A_41 : i32
    "tpu.region"() ({
      %run_scoped3A = tpu.sem_alloc : memref<!tpu.dma_semaphore, #tpu.memory_space<semaphore_mem>>
      %dma_start3A = arith.constant 0 : i32
      %dma_start3A_96 = tpu.memref_slice %arg12[%add3A_42, %dma_start3A] : memref<10240x128xf32, #tpu.memory_space<vmem_shared>> -> memref<128x128xf32, #tpu.memory_space<vmem_shared>>
      %dma_start3A_97 = arith.constant 0 : i32
      %dma_start3A_98 = tpu.memref_slice %arg12[%add3A_42, %dma_start3A_97] : memref<10240x128xf32, #tpu.memory_space<vmem_shared>> -> memref<128x128xf32, #tpu.memory_space<vmem_shared>>
      tpu.enqueue_dma source(%dma_start3A_98 : memref<128x128xf32, #tpu.memory_space<vmem_shared>>) target(%arg11 : memref<128x128xf32, #tpu.memory_space<vmem>>) target_semaphore(%run_scoped3A : memref<!tpu.dma_semaphore, #tpu.memory_space<semaphore_mem>>)
      %dma_wait3A = arith.constant 0 : i32
      %dma_wait3A_99 = tpu.memref_slice %arg12[%add3A_42, %dma_wait3A] : memref<10240x128xf32, #tpu.memory_space<vmem_shared>> -> memref<128x128xf32, #tpu.memory_space<vmem_shared>>
      %dma_wait3A_100 = arith.constant 0 : i32
      %dma_wait3A_101 = tpu.memref_slice %arg12[%add3A_42, %dma_wait3A_100] : memref<10240x128xf32, #tpu.memory_space<vmem_shared>> -> memref<128x128xf32, #tpu.memory_space<vmem_shared>>
      tpu.wait_dma2 semaphore(%run_scoped3A : memref<!tpu.dma_semaphore, #tpu.memory_space<semaphore_mem>>) src(%dma_wait3A_101 : memref<128x128xf32, #tpu.memory_space<vmem_shared>>) dst(%arg11 : memref<128x128xf32, #tpu.memory_space<vmem>>)
      tpu.yield
    }) : () -> ()
    "tpu.region"() ({
      %run_scoped3A = tpu.sem_alloc : memref<!tpu.dma_semaphore, #tpu.memory_space<semaphore_mem>>
      %dma_start3A = arith.constant 0 : i32
      %dma_start3A_96 = tpu.memref_slice %arg7[%arg0, %add3A_42, %dma_start3A] : memref<2x10240x128xf32, #tpu.memory_space<hbm>> -> memref<1x128x128xf32, #tpu.memory_space<hbm>>
      %dma_start3A_97 = tpu.memref_squeeze %dma_start3A_96 : memref<1x128x128xf32, #tpu.memory_space<hbm>> -> memref<128x128xf32, #tpu.memory_space<hbm>>
      %dma_start3A_98 = arith.constant 0 : i32
      %dma_start3A_99 = tpu.memref_slice %arg7[%arg0, %add3A_42, %dma_start3A_98] : memref<2x10240x128xf32, #tpu.memory_space<hbm>> -> memref<1x128x128xf32, #tpu.memory_space<hbm>>
      %dma_start3A_100 = tpu.memref_squeeze %dma_start3A_99 : memref<1x128x128xf32, #tpu.memory_space<hbm>> -> memref<128x128xf32, #tpu.memory_space<hbm>>
      tpu.enqueue_dma source(%arg11 : memref<128x128xf32, #tpu.memory_space<vmem>>) target(%dma_start3A_100 : memref<128x128xf32, #tpu.memory_space<hbm>>) target_semaphore(%run_scoped3A : memref<!tpu.dma_semaphore, #tpu.memory_space<semaphore_mem>>)
      %dma_wait3A = arith.constant 0 : i32
      %dma_wait3A_101 = tpu.memref_slice %arg7[%arg0, %add3A_42, %dma_wait3A] : memref<2x10240x128xf32, #tpu.memory_space<hbm>> -> memref<1x128x128xf32, #tpu.memory_space<hbm>>
      %dma_wait3A_102 = tpu.memref_squeeze %dma_wait3A_101 : memref<1x128x128xf32, #tpu.memory_space<hbm>> -> memref<128x128xf32, #tpu.memory_space<hbm>>
      %dma_wait3A_103 = arith.constant 0 : i32
      %dma_wait3A_104 = tpu.memref_slice %arg7[%arg0, %add3A_42, %dma_wait3A_103] : memref<2x10240x128xf32, #tpu.memory_space<hbm>> -> memref<1x128x128xf32, #tpu.memory_space<hbm>>
      %dma_wait3A_105 = tpu.memref_squeeze %dma_wait3A_104 : memref<1x128x128xf32, #tpu.memory_space<hbm>> -> memref<128x128xf32, #tpu.memory_space<hbm>>
      tpu.wait_dma2 semaphore(%run_scoped3A : memref<!tpu.dma_semaphore, #tpu.memory_space<semaphore_mem>>) src(%arg11 : memref<128x128xf32, #tpu.memory_space<vmem>>) dst(%dma_wait3A_105 : memref<128x128xf32, #tpu.memory_space<hbm>>)
      tpu.yield
    }) : () -> ()
    %mul3A_43 = arith.constant 640 : i32
    %mul3A_44 = arith.muli %arg1, %mul3A_43 : i32
    %add3A_45 = arith.constant 512 : i32
    %add3A_46 = arith.addi %mul3A_44, %add3A_45 : i32
    "tpu.region"() ({
      %run_scoped3A = tpu.sem_alloc : memref<!tpu.dma_semaphore, #tpu.memory_space<semaphore_mem>>
      %dma_start3A = arith.constant 0 : i32
      %dma_start3A_96 = tpu.memref_slice %arg12[%add3A_46, %dma_start3A] : memref<10240x128xf32, #tpu.memory_space<vmem_shared>> -> memref<128x128xf32, #tpu.memory_space<vmem_shared>>
      %dma_start3A_97 = arith.constant 0 : i32
      %dma_start3A_98 = tpu.memref_slice %arg12[%add3A_46, %dma_start3A_97] : memref<10240x128xf32, #tpu.memory_space<vmem_shared>> -> memref<128x128xf32, #tpu.memory_space<vmem_shared>>
      tpu.enqueue_dma source(%dma_start3A_98 : memref<128x128xf32, #tpu.memory_space<vmem_shared>>) target(%arg11 : memref<128x128xf32, #tpu.memory_space<vmem>>) target_semaphore(%run_scoped3A : memref<!tpu.dma_semaphore, #tpu.memory_space<semaphore_mem>>)
      %dma_wait3A = arith.constant 0 : i32
      %dma_wait3A_99 = tpu.memref_slice %arg12[%add3A_46, %dma_wait3A] : memref<10240x128xf32, #tpu.memory_space<vmem_shared>> -> memref<128x128xf32, #tpu.memory_space<vmem_shared>>
      %dma_wait3A_100 = arith.constant 0 : i32
      %dma_wait3A_101 = tpu.memref_slice %arg12[%add3A_46, %dma_wait3A_100] : memref<10240x128xf32, #tpu.memory_space<vmem_shared>> -> memref<128x128xf32, #tpu.memory_space<vmem_shared>>
      tpu.wait_dma2 semaphore(%run_scoped3A : memref<!tpu.dma_semaphore, #tpu.memory_space<semaphore_mem>>) src(%dma_wait3A_101 : memref<128x128xf32, #tpu.memory_space<vmem_shared>>) dst(%arg11 : memref<128x128xf32, #tpu.memory_space<vmem>>)
      tpu.yield
    }) : () -> ()
    "tpu.region"() ({
      %run_scoped3A = tpu.sem_alloc : memref<!tpu.dma_semaphore, #tpu.memory_space<semaphore_mem>>
      %dma_start3A = arith.constant 0 : i32
      %dma_start3A_96 = tpu.memref_slice %arg7[%arg0, %add3A_46, %dma_start3A] : memref<2x10240x128xf32, #tpu.memory_space<hbm>> -> memref<1x128x128xf32, #tpu.memory_space<hbm>>
      %dma_start3A_97 = tpu.memref_squeeze %dma_start3A_96 : memref<1x128x128xf32, #tpu.memory_space<hbm>> -> memref<128x128xf32, #tpu.memory_space<hbm>>
      %dma_start3A_98 = arith.constant 0 : i32
      %dma_start3A_99 = tpu.memref_slice %arg7[%arg0, %add3A_46, %dma_start3A_98] : memref<2x10240x128xf32, #tpu.memory_space<hbm>> -> memref<1x128x128xf32, #tpu.memory_space<hbm>>
      %dma_start3A_100 = tpu.memref_squeeze %dma_start3A_99 : memref<1x128x128xf32, #tpu.memory_space<hbm>> -> memref<128x128xf32, #tpu.memory_space<hbm>>
      tpu.enqueue_dma source(%arg11 : memref<128x128xf32, #tpu.memory_space<vmem>>) target(%dma_start3A_100 : memref<128x128xf32, #tpu.memory_space<hbm>>) target_semaphore(%run_scoped3A : memref<!tpu.dma_semaphore, #tpu.memory_space<semaphore_mem>>)
      %dma_wait3A = arith.constant 0 : i32
      %dma_wait3A_101 = tpu.memref_slice %arg7[%arg0, %add3A_46, %dma_wait3A] : memref<2x10240x128xf32, #tpu.memory_space<hbm>> -> memref<1x128x128xf32, #tpu.memory_space<hbm>>
      %dma_wait3A_102 = tpu.memref_squeeze %dma_wait3A_101 : memref<1x128x128xf32, #tpu.memory_space<hbm>> -> memref<128x128xf32, #tpu.memory_space<hbm>>
      %dma_wait3A_103 = arith.constant 0 : i32
      %dma_wait3A_104 = tpu.memref_slice %arg7[%arg0, %add3A_46, %dma_wait3A_103] : memref<2x10240x128xf32, #tpu.memory_space<hbm>> -> memref<1x128x128xf32, #tpu.memory_space<hbm>>
      %dma_wait3A_105 = tpu.memref_squeeze %dma_wait3A_104 : memref<1x128x128xf32, #tpu.memory_space<hbm>> -> memref<128x128xf32, #tpu.memory_space<hbm>>
      tpu.wait_dma2 semaphore(%run_scoped3A : memref<!tpu.dma_semaphore, #tpu.memory_space<semaphore_mem>>) src(%arg11 : memref<128x128xf32, #tpu.memory_space<vmem>>) dst(%dma_wait3A_105 : memref<128x128xf32, #tpu.memory_space<hbm>>)
      tpu.yield
    }) : () -> ()
    %barrier3A_47 = arith.constant 0 : index
    tpu.barrier barrier_id(%barrier3A_47)
    "tpu.region"() ({
      %run_scoped3A = tpu.sem_alloc : memref<!tpu.dma_semaphore, #tpu.memory_space<semaphore_mem>>
      tpu.enqueue_dma source(%arg5 : memref<128x128xf32, #tpu.memory_space<hbm>>) target(%arg11 : memref<128x128xf32, #tpu.memory_space<vmem>>) target_semaphore(%run_scoped3A : memref<!tpu.dma_semaphore, #tpu.memory_space<semaphore_mem>>)
      tpu.wait_dma2 semaphore(%run_scoped3A : memref<!tpu.dma_semaphore, #tpu.memory_space<semaphore_mem>>) src(%arg5 : memref<128x128xf32, #tpu.memory_space<hbm>>) dst(%arg11 : memref<128x128xf32, #tpu.memory_space<vmem>>)
      tpu.yield
    }) : () -> ()
    %mul3A_48 = arith.constant 640 : i32
    %mul3A_49 = arith.muli %arg1, %mul3A_48 : i32
    %add3A_50 = arith.constant 0 : i32
    %add3A_51 = arith.addi %mul3A_49, %add3A_50 : i32
    "tpu.region"() ({
      %run_scoped3A = tpu.sem_alloc : memref<!tpu.dma_semaphore, #tpu.memory_space<semaphore_mem>>
      %dma_start3A = arith.constant 0 : i32
      %dma_start3A_96 = tpu.memref_slice %arg12[%add3A_51, %dma_start3A] : memref<10240x128xf32, #tpu.memory_space<vmem_shared>> -> memref<128x128xf32, #tpu.memory_space<vmem_shared>>
      %dma_start3A_97 = arith.constant 0 : i32
      %dma_start3A_98 = tpu.memref_slice %arg12[%add3A_51, %dma_start3A_97] : memref<10240x128xf32, #tpu.memory_space<vmem_shared>> -> memref<128x128xf32, #tpu.memory_space<vmem_shared>>
      tpu.enqueue_dma source(%arg11 : memref<128x128xf32, #tpu.memory_space<vmem>>) target(%dma_start3A_98 : memref<128x128xf32, #tpu.memory_space<vmem_shared>>) target_semaphore(%run_scoped3A : memref<!tpu.dma_semaphore, #tpu.memory_space<semaphore_mem>>)
      %dma_wait3A = arith.constant 0 : i32
      %dma_wait3A_99 = tpu.memref_slice %arg12[%add3A_51, %dma_wait3A] : memref<10240x128xf32, #tpu.memory_space<vmem_shared>> -> memref<128x128xf32, #tpu.memory_space<vmem_shared>>
      %dma_wait3A_100 = arith.constant 0 : i32
      %dma_wait3A_101 = tpu.memref_slice %arg12[%add3A_51, %dma_wait3A_100] : memref<10240x128xf32, #tpu.memory_space<vmem_shared>> -> memref<128x128xf32, #tpu.memory_space<vmem_shared>>
      tpu.wait_dma2 semaphore(%run_scoped3A : memref<!tpu.dma_semaphore, #tpu.memory_space<semaphore_mem>>) src(%arg11 : memref<128x128xf32, #tpu.memory_space<vmem>>) dst(%dma_wait3A_101 : memref<128x128xf32, #tpu.memory_space<vmem_shared>>)
      tpu.yield
    }) : () -> ()
    %mul3A_52 = arith.constant 640 : i32
    %mul3A_53 = arith.muli %arg1, %mul3A_52 : i32
    %add3A_54 = arith.constant 128 : i32
    %add3A_55 = arith.addi %mul3A_53, %add3A_54 : i32
    "tpu.region"() ({
      %run_scoped3A = tpu.sem_alloc : memref<!tpu.dma_semaphore, #tpu.memory_space<semaphore_mem>>
      %dma_start3A = arith.constant 0 : i32
      %dma_start3A_96 = tpu.memref_slice %arg12[%add3A_55, %dma_start3A] : memref<10240x128xf32, #tpu.memory_space<vmem_shared>> -> memref<128x128xf32, #tpu.memory_space<vmem_shared>>
      %dma_start3A_97 = arith.constant 0 : i32
      %dma_start3A_98 = tpu.memref_slice %arg12[%add3A_55, %dma_start3A_97] : memref<10240x128xf32, #tpu.memory_space<vmem_shared>> -> memref<128x128xf32, #tpu.memory_space<vmem_shared>>
      tpu.enqueue_dma source(%arg11 : memref<128x128xf32, #tpu.memory_space<vmem>>) target(%dma_start3A_98 : memref<128x128xf32, #tpu.memory_space<vmem_shared>>) target_semaphore(%run_scoped3A : memref<!tpu.dma_semaphore, #tpu.memory_space<semaphore_mem>>)
      %dma_wait3A = arith.constant 0 : i32
      %dma_wait3A_99 = tpu.memref_slice %arg12[%add3A_55, %dma_wait3A] : memref<10240x128xf32, #tpu.memory_space<vmem_shared>> -> memref<128x128xf32, #tpu.memory_space<vmem_shared>>
      %dma_wait3A_100 = arith.constant 0 : i32
      %dma_wait3A_101 = tpu.memref_slice %arg12[%add3A_55, %dma_wait3A_100] : memref<10240x128xf32, #tpu.memory_space<vmem_shared>> -> memref<128x128xf32, #tpu.memory_space<vmem_shared>>
      tpu.wait_dma2 semaphore(%run_scoped3A : memref<!tpu.dma_semaphore, #tpu.memory_space<semaphore_mem>>) src(%arg11 : memref<128x128xf32, #tpu.memory_space<vmem>>) dst(%dma_wait3A_101 : memref<128x128xf32, #tpu.memory_space<vmem_shared>>)
      tpu.yield
    }) : () -> ()
    %mul3A_56 = arith.constant 640 : i32
    %mul3A_57 = arith.muli %arg1, %mul3A_56 : i32
    %add3A_58 = arith.constant 256 : i32
    %add3A_59 = arith.addi %mul3A_57, %add3A_58 : i32
    "tpu.region"() ({
      %run_scoped3A = tpu.sem_alloc : memref<!tpu.dma_semaphore, #tpu.memory_space<semaphore_mem>>
      %dma_start3A = arith.constant 0 : i32
      %dma_start3A_96 = tpu.memref_slice %arg12[%add3A_59, %dma_start3A] : memref<10240x128xf32, #tpu.memory_space<vmem_shared>> -> memref<128x128xf32, #tpu.memory_space<vmem_shared>>
      %dma_start3A_97 = arith.constant 0 : i32
      %dma_start3A_98 = tpu.memref_slice %arg12[%add3A_59, %dma_start3A_97] : memref<10240x128xf32, #tpu.memory_space<vmem_shared>> -> memref<128x128xf32, #tpu.memory_space<vmem_shared>>
      tpu.enqueue_dma source(%arg11 : memref<128x128xf32, #tpu.memory_space<vmem>>) target(%dma_start3A_98 : memref<128x128xf32, #tpu.memory_space<vmem_shared>>) target_semaphore(%run_scoped3A : memref<!tpu.dma_semaphore, #tpu.memory_space<semaphore_mem>>)
      %dma_wait3A = arith.constant 0 : i32
      %dma_wait3A_99 = tpu.memref_slice %arg12[%add3A_59, %dma_wait3A] : memref<10240x128xf32, #tpu.memory_space<vmem_shared>> -> memref<128x128xf32, #tpu.memory_space<vmem_shared>>
      %dma_wait3A_100 = arith.constant 0 : i32
      %dma_wait3A_101 = tpu.memref_slice %arg12[%add3A_59, %dma_wait3A_100] : memref<10240x128xf32, #tpu.memory_space<vmem_shared>> -> memref<128x128xf32, #tpu.memory_space<vmem_shared>>
      tpu.wait_dma2 semaphore(%run_scoped3A : memref<!tpu.dma_semaphore, #tpu.memory_space<semaphore_mem>>) src(%arg11 : memref<128x128xf32, #tpu.memory_space<vmem>>) dst(%dma_wait3A_101 : memref<128x128xf32, #tpu.memory_space<vmem_shared>>)
      tpu.yield
    }) : () -> ()
    %mul3A_60 = arith.constant 640 : i32
    %mul3A_61 = arith.muli %arg1, %mul3A_60 : i32
    %add3A_62 = arith.constant 384 : i32
    %add3A_63 = arith.addi %mul3A_61, %add3A_62 : i32
    "tpu.region"() ({
      %run_scoped3A = tpu.sem_alloc : memref<!tpu.dma_semaphore, #tpu.memory_space<semaphore_mem>>
      %dma_start3A = arith.constant 0 : i32
      %dma_start3A_96 = tpu.memref_slice %arg12[%add3A_63, %dma_start3A] : memref<10240x128xf32, #tpu.memory_space<vmem_shared>> -> memref<128x128xf32, #tpu.memory_space<vmem_shared>>
      %dma_start3A_97 = arith.constant 0 : i32
      %dma_start3A_98 = tpu.memref_slice %arg12[%add3A_63, %dma_start3A_97] : memref<10240x128xf32, #tpu.memory_space<vmem_shared>> -> memref<128x128xf32, #tpu.memory_space<vmem_shared>>
      tpu.enqueue_dma source(%arg11 : memref<128x128xf32, #tpu.memory_space<vmem>>) target(%dma_start3A_98 : memref<128x128xf32, #tpu.memory_space<vmem_shared>>) target_semaphore(%run_scoped3A : memref<!tpu.dma_semaphore, #tpu.memory_space<semaphore_mem>>)
      %dma_wait3A = arith.constant 0 : i32
      %dma_wait3A_99 = tpu.memref_slice %arg12[%add3A_63, %dma_wait3A] : memref<10240x128xf32, #tpu.memory_space<vmem_shared>> -> memref<128x128xf32, #tpu.memory_space<vmem_shared>>
      %dma_wait3A_100 = arith.constant 0 : i32
      %dma_wait3A_101 = tpu.memref_slice %arg12[%add3A_63, %dma_wait3A_100] : memref<10240x128xf32, #tpu.memory_space<vmem_shared>> -> memref<128x128xf32, #tpu.memory_space<vmem_shared>>
      tpu.wait_dma2 semaphore(%run_scoped3A : memref<!tpu.dma_semaphore, #tpu.memory_space<semaphore_mem>>) src(%arg11 : memref<128x128xf32, #tpu.memory_space<vmem>>) dst(%dma_wait3A_101 : memref<128x128xf32, #tpu.memory_space<vmem_shared>>)
      tpu.yield
    }) : () -> ()
    %mul3A_64 = arith.constant 640 : i32
    %mul3A_65 = arith.muli %arg1, %mul3A_64 : i32
    %add3A_66 = arith.constant 512 : i32
    %add3A_67 = arith.addi %mul3A_65, %add3A_66 : i32
    "tpu.region"() ({
      %run_scoped3A = tpu.sem_alloc : memref<!tpu.dma_semaphore, #tpu.memory_space<semaphore_mem>>
      %dma_start3A = arith.constant 0 : i32
      %dma_start3A_96 = tpu.memref_slice %arg12[%add3A_67, %dma_start3A] : memref<10240x128xf32, #tpu.memory_space<vmem_shared>> -> memref<128x128xf32, #tpu.memory_space<vmem_shared>>
      %dma_start3A_97 = arith.constant 0 : i32
      %dma_start3A_98 = tpu.memref_slice %arg12[%add3A_67, %dma_start3A_97] : memref<10240x128xf32, #tpu.memory_space<vmem_shared>> -> memref<128x128xf32, #tpu.memory_space<vmem_shared>>
      tpu.enqueue_dma source(%arg11 : memref<128x128xf32, #tpu.memory_space<vmem>>) target(%dma_start3A_98 : memref<128x128xf32, #tpu.memory_space<vmem_shared>>) target_semaphore(%run_scoped3A : memref<!tpu.dma_semaphore, #tpu.memory_space<semaphore_mem>>)
      %dma_wait3A = arith.constant 0 : i32
      %dma_wait3A_99 = tpu.memref_slice %arg12[%add3A_67, %dma_wait3A] : memref<10240x128xf32, #tpu.memory_space<vmem_shared>> -> memref<128x128xf32, #tpu.memory_space<vmem_shared>>
      %dma_wait3A_100 = arith.constant 0 : i32
      %dma_wait3A_101 = tpu.memref_slice %arg12[%add3A_67, %dma_wait3A_100] : memref<10240x128xf32, #tpu.memory_space<vmem_shared>> -> memref<128x128xf32, #tpu.memory_space<vmem_shared>>
      tpu.wait_dma2 semaphore(%run_scoped3A : memref<!tpu.dma_semaphore, #tpu.memory_space<semaphore_mem>>) src(%arg11 : memref<128x128xf32, #tpu.memory_space<vmem>>) dst(%dma_wait3A_101 : memref<128x128xf32, #tpu.memory_space<vmem_shared>>)
      tpu.yield
    }) : () -> ()
    %barrier3A_68 = arith.constant 0 : index
    tpu.barrier barrier_id(%barrier3A_68)
    "tpu.region"() ({
      %run_scoped3A = tpu.sem_alloc : memref<!tpu.dma_semaphore, #tpu.memory_space<semaphore_mem>>
      tpu.enqueue_dma source(%arg6 : memref<128x128xf32, #tpu.memory_space<hbm>>) target(%arg11 : memref<128x128xf32, #tpu.memory_space<vmem>>) target_semaphore(%run_scoped3A : memref<!tpu.dma_semaphore, #tpu.memory_space<semaphore_mem>>)
      tpu.wait_dma2 semaphore(%run_scoped3A : memref<!tpu.dma_semaphore, #tpu.memory_space<semaphore_mem>>) src(%arg6 : memref<128x128xf32, #tpu.memory_space<hbm>>) dst(%arg11 : memref<128x128xf32, #tpu.memory_space<vmem>>)
      tpu.yield
    }) : () -> ()
    %scan3A_69 = arith.constant 0 : i32
    %scan3A_70 = arith.constant 0 : i32
    %scan3A_71 = arith.constant 79 : i32
    %scan3A_72 = arith.addi %scan3A_70, %scan3A_71 : i32
    %scan3A_73 = arith.constant 1 : i32
    scf.for %scan3A_96 = %scan3A_70 to %scan3A_72 step %scan3A_73  : i32 {
      %run_scoped3A = arith.constant 0 : i32
      "tpu.region"() ({
        %run_scoped3A_98 = tpu.sem_alloc : memref<!tpu.dma_semaphore, #tpu.memory_space<semaphore_mem>>
        %dma_start3A = arith.constant 0 : i32
        %dma_start3A_99 = tpu.memref_slice %arg10[%run_scoped3A, %dma_start3A] : memref<1x128xi32, #tpu.memory_space<vmem>> -> memref<1x128xi32, #tpu.memory_space<vmem>>
        %dma_start3A_100 = tpu.memref_squeeze %dma_start3A_99 : memref<1x128xi32, #tpu.memory_space<vmem>> -> memref<128xi32, #tpu.memory_space<vmem>>
        %dma_start3A_101 = arith.constant 0 : i32
        %dma_start3A_102 = tpu.memref_slice %arg4[%add3A, %scan3A_96, %dma_start3A_101] : memref<32x79x128xi32, #tpu.memory_space<hbm>> -> memref<1x1x128xi32, #tpu.memory_space<hbm>>
        %dma_start3A_103 = tpu.memref_squeeze %dma_start3A_102 : memref<1x1x128xi32, #tpu.memory_space<hbm>> -> memref<128xi32, #tpu.memory_space<hbm>>
        %dma_start3A_104 = arith.constant 0 : i32
        %dma_start3A_105 = tpu.memref_slice %arg10[%run_scoped3A, %dma_start3A_104] : memref<1x128xi32, #tpu.memory_space<vmem>> -> memref<1x128xi32, #tpu.memory_space<vmem>>
        %dma_start3A_106 = tpu.memref_squeeze %dma_start3A_105 : memref<1x128xi32, #tpu.memory_space<vmem>> -> memref<128xi32, #tpu.memory_space<vmem>>
        %dma_start3A_107 = arith.constant 0 : i32
        %dma_start3A_108 = tpu.memref_slice %arg4[%add3A, %scan3A_96, %dma_start3A_107] : memref<32x79x128xi32, #tpu.memory_space<hbm>> -> memref<1x1x128xi32, #tpu.memory_space<hbm>>
        %dma_start3A_109 = tpu.memref_squeeze %dma_start3A_108 : memref<1x1x128xi32, #tpu.memory_space<hbm>> -> memref<128xi32, #tpu.memory_space<hbm>>
        tpu.enqueue_dma source(%dma_start3A_109 : memref<128xi32, #tpu.memory_space<hbm>>) target(%dma_start3A_106 : memref<128xi32, #tpu.memory_space<vmem>>) target_semaphore(%run_scoped3A_98 : memref<!tpu.dma_semaphore, #tpu.memory_space<semaphore_mem>>)
        %dma_wait3A = arith.constant 0 : i32
        %dma_wait3A_110 = tpu.memref_slice %arg10[%run_scoped3A, %dma_wait3A] : memref<1x128xi32, #tpu.memory_space<vmem>> -> memref<1x128xi32, #tpu.memory_space<vmem>>
        %dma_wait3A_111 = tpu.memref_squeeze %dma_wait3A_110 : memref<1x128xi32, #tpu.memory_space<vmem>> -> memref<128xi32, #tpu.memory_space<vmem>>
        %dma_wait3A_112 = arith.constant 0 : i32
        %dma_wait3A_113 = tpu.memref_slice %arg4[%add3A, %scan3A_96, %dma_wait3A_112] : memref<32x79x128xi32, #tpu.memory_space<hbm>> -> memref<1x1x128xi32, #tpu.memory_space<hbm>>
        %dma_wait3A_114 = tpu.memref_squeeze %dma_wait3A_113 : memref<1x1x128xi32, #tpu.memory_space<hbm>> -> memref<128xi32, #tpu.memory_space<hbm>>
        %dma_wait3A_115 = arith.constant 0 : i32
        %dma_wait3A_116 = tpu.memref_slice %arg10[%run_scoped3A, %dma_wait3A_115] : memref<1x128xi32, #tpu.memory_space<vmem>> -> memref<1x128xi32, #tpu.memory_space<vmem>>
        %dma_wait3A_117 = tpu.memref_squeeze %dma_wait3A_116 : memref<1x128xi32, #tpu.memory_space<vmem>> -> memref<128xi32, #tpu.memory_space<vmem>>
        %dma_wait3A_118 = arith.constant 0 : i32
        %dma_wait3A_119 = tpu.memref_slice %arg4[%add3A, %scan3A_96, %dma_wait3A_118] : memref<32x79x128xi32, #tpu.memory_space<hbm>> -> memref<1x1x128xi32, #tpu.memory_space<hbm>>
        %dma_wait3A_120 = tpu.memref_squeeze %dma_wait3A_119 : memref<1x1x128xi32, #tpu.memory_space<hbm>> -> memref<128xi32, #tpu.memory_space<hbm>>
        tpu.wait_dma2 semaphore(%run_scoped3A_98 : memref<!tpu.dma_semaphore, #tpu.memory_space<semaphore_mem>>) src(%dma_wait3A_120 : memref<128xi32, #tpu.memory_space<hbm>>) dst(%dma_wait3A_117 : memref<128xi32, #tpu.memory_space<vmem>>)
        tpu.yield
      }) : () -> ()
      %run_scoped3A_97 = arith.constant 0 : i32
      "tpu.region"() ({
        %run_scoped3A_98 = tpu.sem_alloc : memref<!tpu.dma_semaphore, #tpu.memory_space<semaphore_mem>>
        %dma_start3A = arith.constant 0 : i32
        %dma_start3A_99 = tpu.memref_slice %arg10[%run_scoped3A_97, %dma_start3A] : memref<1x128xi32, #tpu.memory_space<vmem>> -> memref<1x128xi32, #tpu.memory_space<vmem>>
        %dma_start3A_100 = tpu.memref_squeeze %dma_start3A_99 : memref<1x128xi32, #tpu.memory_space<vmem>> -> memref<128xi32, #tpu.memory_space<vmem>>
        %dma_start3A_101 = arith.constant 0 : i32
        %dma_start3A_102 = arith.constant 0 : i32
        %dma_start3A_103 = tpu.memref_slice %arg12[%dma_start3A_101, %dma_start3A_102] : memref<10240x128xf32, #tpu.memory_space<vmem_shared>> -> memref<10240x128xf32, #tpu.memory_space<vmem_shared>>
        tpu.enqueue_indirect_dma source(%arg11 : memref<128x128xf32, #tpu.memory_space<vmem>>) target(%dma_start3A_103 : memref<10240x128xf32, #tpu.memory_space<vmem_shared>>) offsets(%dma_start3A_100 : memref<128xi32, #tpu.memory_space<vmem>>) semaphore(%run_scoped3A_98 : memref<!tpu.dma_semaphore, #tpu.memory_space<semaphore_mem>>) {add = true}
        %dma_wait3A = arith.constant 0 : i32
        %dma_wait3A_104 = tpu.memref_slice %arg10[%run_scoped3A_97, %dma_wait3A] : memref<1x128xi32, #tpu.memory_space<vmem>> -> memref<1x128xi32, #tpu.memory_space<vmem>>
        %dma_wait3A_105 = tpu.memref_squeeze %dma_wait3A_104 : memref<1x128xi32, #tpu.memory_space<vmem>> -> memref<128xi32, #tpu.memory_space<vmem>>
        %dma_wait3A_106 = arith.constant 0 : i32
        %dma_wait3A_107 = arith.constant 0 : i32
        %dma_wait3A_108 = tpu.memref_slice %arg12[%dma_wait3A_106, %dma_wait3A_107] : memref<10240x128xf32, #tpu.memory_space<vmem_shared>> -> memref<10240x128xf32, #tpu.memory_space<vmem_shared>>
        tpu.wait_indirect_dma semaphore(%run_scoped3A_98 : memref<!tpu.dma_semaphore, #tpu.memory_space<semaphore_mem>>) src(%arg11 : memref<128x128xf32, #tpu.memory_space<vmem>>) dst(%dma_wait3A_108 : memref<10240x128xf32, #tpu.memory_space<vmem_shared>>)
        tpu.yield
      }) : () -> ()
    }
    %scan3A_74 = arith.constant 79 : i32
    %barrier3A_75 = arith.constant 0 : index
    tpu.barrier barrier_id(%barrier3A_75)
    %mul3A_76 = arith.constant 640 : i32
    %mul3A_77 = arith.muli %arg1, %mul3A_76 : i32
    %add3A_78 = arith.constant 0 : i32
    %add3A_79 = arith.addi %mul3A_77, %add3A_78 : i32
    "tpu.region"() ({
      %run_scoped3A = tpu.sem_alloc : memref<!tpu.dma_semaphore, #tpu.memory_space<semaphore_mem>>
      %dma_start3A = arith.constant 0 : i32
      %dma_start3A_96 = tpu.memref_slice %arg12[%add3A_79, %dma_start3A] : memref<10240x128xf32, #tpu.memory_space<vmem_shared>> -> memref<128x128xf32, #tpu.memory_space<vmem_shared>>
      %dma_start3A_97 = arith.constant 0 : i32
      %dma_start3A_98 = tpu.memref_slice %arg12[%add3A_79, %dma_start3A_97] : memref<10240x128xf32, #tpu.memory_space<vmem_shared>> -> memref<128x128xf32, #tpu.memory_space<vmem_shared>>
      tpu.enqueue_dma source(%dma_start3A_98 : memref<128x128xf32, #tpu.memory_space<vmem_shared>>) target(%arg11 : memref<128x128xf32, #tpu.memory_space<vmem>>) target_semaphore(%run_scoped3A : memref<!tpu.dma_semaphore, #tpu.memory_space<semaphore_mem>>)
      %dma_wait3A = arith.constant 0 : i32
      %dma_wait3A_99 = tpu.memref_slice %arg12[%add3A_79, %dma_wait3A] : memref<10240x128xf32, #tpu.memory_space<vmem_shared>> -> memref<128x128xf32, #tpu.memory_space<vmem_shared>>
      %dma_wait3A_100 = arith.constant 0 : i32
      %dma_wait3A_101 = tpu.memref_slice %arg12[%add3A_79, %dma_wait3A_100] : memref<10240x128xf32, #tpu.memory_space<vmem_shared>> -> memref<128x128xf32, #tpu.memory_space<vmem_shared>>
      tpu.wait_dma2 semaphore(%run_scoped3A : memref<!tpu.dma_semaphore, #tpu.memory_space<semaphore_mem>>) src(%dma_wait3A_101 : memref<128x128xf32, #tpu.memory_space<vmem_shared>>) dst(%arg11 : memref<128x128xf32, #tpu.memory_space<vmem>>)
      tpu.yield
    }) : () -> ()
    "tpu.region"() ({
      %run_scoped3A = tpu.sem_alloc : memref<!tpu.dma_semaphore, #tpu.memory_space<semaphore_mem>>
      %dma_start3A = arith.constant 0 : i32
      %dma_start3A_96 = tpu.memref_slice %arg8[%arg0, %add3A_79, %dma_start3A] : memref<2x10240x128xf32, #tpu.memory_space<hbm>> -> memref<1x128x128xf32, #tpu.memory_space<hbm>>
      %dma_start3A_97 = tpu.memref_squeeze %dma_start3A_96 : memref<1x128x128xf32, #tpu.memory_space<hbm>> -> memref<128x128xf32, #tpu.memory_space<hbm>>
      %dma_start3A_98 = arith.constant 0 : i32
      %dma_start3A_99 = tpu.memref_slice %arg8[%arg0, %add3A_79, %dma_start3A_98] : memref<2x10240x128xf32, #tpu.memory_space<hbm>> -> memref<1x128x128xf32, #tpu.memory_space<hbm>>
      %dma_start3A_100 = tpu.memref_squeeze %dma_start3A_99 : memref<1x128x128xf32, #tpu.memory_space<hbm>> -> memref<128x128xf32, #tpu.memory_space<hbm>>
      tpu.enqueue_dma source(%arg11 : memref<128x128xf32, #tpu.memory_space<vmem>>) target(%dma_start3A_100 : memref<128x128xf32, #tpu.memory_space<hbm>>) target_semaphore(%run_scoped3A : memref<!tpu.dma_semaphore, #tpu.memory_space<semaphore_mem>>)
      %dma_wait3A = arith.constant 0 : i32
      %dma_wait3A_101 = tpu.memref_slice %arg8[%arg0, %add3A_79, %dma_wait3A] : memref<2x10240x128xf32, #tpu.memory_space<hbm>> -> memref<1x128x128xf32, #tpu.memory_space<hbm>>
      %dma_wait3A_102 = tpu.memref_squeeze %dma_wait3A_101 : memref<1x128x128xf32, #tpu.memory_space<hbm>> -> memref<128x128xf32, #tpu.memory_space<hbm>>
      %dma_wait3A_103 = arith.constant 0 : i32
      %dma_wait3A_104 = tpu.memref_slice %arg8[%arg0, %add3A_79, %dma_wait3A_103] : memref<2x10240x128xf32, #tpu.memory_space<hbm>> -> memref<1x128x128xf32, #tpu.memory_space<hbm>>
      %dma_wait3A_105 = tpu.memref_squeeze %dma_wait3A_104 : memref<1x128x128xf32, #tpu.memory_space<hbm>> -> memref<128x128xf32, #tpu.memory_space<hbm>>
      tpu.wait_dma2 semaphore(%run_scoped3A : memref<!tpu.dma_semaphore, #tpu.memory_space<semaphore_mem>>) src(%arg11 : memref<128x128xf32, #tpu.memory_space<vmem>>) dst(%dma_wait3A_105 : memref<128x128xf32, #tpu.memory_space<hbm>>)
      tpu.yield
    }) : () -> ()
    %mul3A_80 = arith.constant 640 : i32
    %mul3A_81 = arith.muli %arg1, %mul3A_80 : i32
    %add3A_82 = arith.constant 128 : i32
    %add3A_83 = arith.addi %mul3A_81, %add3A_82 : i32
    "tpu.region"() ({
      %run_scoped3A = tpu.sem_alloc : memref<!tpu.dma_semaphore, #tpu.memory_space<semaphore_mem>>
      %dma_start3A = arith.constant 0 : i32
      %dma_start3A_96 = tpu.memref_slice %arg12[%add3A_83, %dma_start3A] : memref<10240x128xf32, #tpu.memory_space<vmem_shared>> -> memref<128x128xf32, #tpu.memory_space<vmem_shared>>
      %dma_start3A_97 = arith.constant 0 : i32
      %dma_start3A_98 = tpu.memref_slice %arg12[%add3A_83, %dma_start3A_97] : memref<10240x128xf32, #tpu.memory_space<vmem_shared>> -> memref<128x128xf32, #tpu.memory_space<vmem_shared>>
      tpu.enqueue_dma source(%dma_start3A_98 : memref<128x128xf32, #tpu.memory_space<vmem_shared>>) target(%arg11 : memref<128x128xf32, #tpu.memory_space<vmem>>) target_semaphore(%run_scoped3A : memref<!tpu.dma_semaphore, #tpu.memory_space<semaphore_mem>>)
      %dma_wait3A = arith.constant 0 : i32
      %dma_wait3A_99 = tpu.memref_slice %arg12[%add3A_83, %dma_wait3A] : memref<10240x128xf32, #tpu.memory_space<vmem_shared>> -> memref<128x128xf32, #tpu.memory_space<vmem_shared>>
      %dma_wait3A_100 = arith.constant 0 : i32
      %dma_wait3A_101 = tpu.memref_slice %arg12[%add3A_83, %dma_wait3A_100] : memref<10240x128xf32, #tpu.memory_space<vmem_shared>> -> memref<128x128xf32, #tpu.memory_space<vmem_shared>>
      tpu.wait_dma2 semaphore(%run_scoped3A : memref<!tpu.dma_semaphore, #tpu.memory_space<semaphore_mem>>) src(%dma_wait3A_101 : memref<128x128xf32, #tpu.memory_space<vmem_shared>>) dst(%arg11 : memref<128x128xf32, #tpu.memory_space<vmem>>)
      tpu.yield
    }) : () -> ()
    "tpu.region"() ({
      %run_scoped3A = tpu.sem_alloc : memref<!tpu.dma_semaphore, #tpu.memory_space<semaphore_mem>>
      %dma_start3A = arith.constant 0 : i32
      %dma_start3A_96 = tpu.memref_slice %arg8[%arg0, %add3A_83, %dma_start3A] : memref<2x10240x128xf32, #tpu.memory_space<hbm>> -> memref<1x128x128xf32, #tpu.memory_space<hbm>>
      %dma_start3A_97 = tpu.memref_squeeze %dma_start3A_96 : memref<1x128x128xf32, #tpu.memory_space<hbm>> -> memref<128x128xf32, #tpu.memory_space<hbm>>
      %dma_start3A_98 = arith.constant 0 : i32
      %dma_start3A_99 = tpu.memref_slice %arg8[%arg0, %add3A_83, %dma_start3A_98] : memref<2x10240x128xf32, #tpu.memory_space<hbm>> -> memref<1x128x128xf32, #tpu.memory_space<hbm>>
      %dma_start3A_100 = tpu.memref_squeeze %dma_start3A_99 : memref<1x128x128xf32, #tpu.memory_space<hbm>> -> memref<128x128xf32, #tpu.memory_space<hbm>>
      tpu.enqueue_dma source(%arg11 : memref<128x128xf32, #tpu.memory_space<vmem>>) target(%dma_start3A_100 : memref<128x128xf32, #tpu.memory_space<hbm>>) target_semaphore(%run_scoped3A : memref<!tpu.dma_semaphore, #tpu.memory_space<semaphore_mem>>)
      %dma_wait3A = arith.constant 0 : i32
      %dma_wait3A_101 = tpu.memref_slice %arg8[%arg0, %add3A_83, %dma_wait3A] : memref<2x10240x128xf32, #tpu.memory_space<hbm>> -> memref<1x128x128xf32, #tpu.memory_space<hbm>>
      %dma_wait3A_102 = tpu.memref_squeeze %dma_wait3A_101 : memref<1x128x128xf32, #tpu.memory_space<hbm>> -> memref<128x128xf32, #tpu.memory_space<hbm>>
      %dma_wait3A_103 = arith.constant 0 : i32
      %dma_wait3A_104 = tpu.memref_slice %arg8[%arg0, %add3A_83, %dma_wait3A_103] : memref<2x10240x128xf32, #tpu.memory_space<hbm>> -> memref<1x128x128xf32, #tpu.memory_space<hbm>>
      %dma_wait3A_105 = tpu.memref_squeeze %dma_wait3A_104 : memref<1x128x128xf32, #tpu.memory_space<hbm>> -> memref<128x128xf32, #tpu.memory_space<hbm>>
      tpu.wait_dma2 semaphore(%run_scoped3A : memref<!tpu.dma_semaphore, #tpu.memory_space<semaphore_mem>>) src(%arg11 : memref<128x128xf32, #tpu.memory_space<vmem>>) dst(%dma_wait3A_105 : memref<128x128xf32, #tpu.memory_space<hbm>>)
      tpu.yield
    }) : () -> ()
    %mul3A_84 = arith.constant 640 : i32
    %mul3A_85 = arith.muli %arg1, %mul3A_84 : i32
    %add3A_86 = arith.constant 256 : i32
    %add3A_87 = arith.addi %mul3A_85, %add3A_86 : i32
    "tpu.region"() ({
      %run_scoped3A = tpu.sem_alloc : memref<!tpu.dma_semaphore, #tpu.memory_space<semaphore_mem>>
      %dma_start3A = arith.constant 0 : i32
      %dma_start3A_96 = tpu.memref_slice %arg12[%add3A_87, %dma_start3A] : memref<10240x128xf32, #tpu.memory_space<vmem_shared>> -> memref<128x128xf32, #tpu.memory_space<vmem_shared>>
      %dma_start3A_97 = arith.constant 0 : i32
      %dma_start3A_98 = tpu.memref_slice %arg12[%add3A_87, %dma_start3A_97] : memref<10240x128xf32, #tpu.memory_space<vmem_shared>> -> memref<128x128xf32, #tpu.memory_space<vmem_shared>>
      tpu.enqueue_dma source(%dma_start3A_98 : memref<128x128xf32, #tpu.memory_space<vmem_shared>>) target(%arg11 : memref<128x128xf32, #tpu.memory_space<vmem>>) target_semaphore(%run_scoped3A : memref<!tpu.dma_semaphore, #tpu.memory_space<semaphore_mem>>)
      %dma_wait3A = arith.constant 0 : i32
      %dma_wait3A_99 = tpu.memref_slice %arg12[%add3A_87, %dma_wait3A] : memref<10240x128xf32, #tpu.memory_space<vmem_shared>> -> memref<128x128xf32, #tpu.memory_space<vmem_shared>>
      %dma_wait3A_100 = arith.constant 0 : i32
      %dma_wait3A_101 = tpu.memref_slice %arg12[%add3A_87, %dma_wait3A_100] : memref<10240x128xf32, #tpu.memory_space<vmem_shared>> -> memref<128x128xf32, #tpu.memory_space<vmem_shared>>
      tpu.wait_dma2 semaphore(%run_scoped3A : memref<!tpu.dma_semaphore, #tpu.memory_space<semaphore_mem>>) src(%dma_wait3A_101 : memref<128x128xf32, #tpu.memory_space<vmem_shared>>) dst(%arg11 : memref<128x128xf32, #tpu.memory_space<vmem>>)
      tpu.yield
    }) : () -> ()
    "tpu.region"() ({
      %run_scoped3A = tpu.sem_alloc : memref<!tpu.dma_semaphore, #tpu.memory_space<semaphore_mem>>
      %dma_start3A = arith.constant 0 : i32
      %dma_start3A_96 = tpu.memref_slice %arg8[%arg0, %add3A_87, %dma_start3A] : memref<2x10240x128xf32, #tpu.memory_space<hbm>> -> memref<1x128x128xf32, #tpu.memory_space<hbm>>
      %dma_start3A_97 = tpu.memref_squeeze %dma_start3A_96 : memref<1x128x128xf32, #tpu.memory_space<hbm>> -> memref<128x128xf32, #tpu.memory_space<hbm>>
      %dma_start3A_98 = arith.constant 0 : i32
      %dma_start3A_99 = tpu.memref_slice %arg8[%arg0, %add3A_87, %dma_start3A_98] : memref<2x10240x128xf32, #tpu.memory_space<hbm>> -> memref<1x128x128xf32, #tpu.memory_space<hbm>>
      %dma_start3A_100 = tpu.memref_squeeze %dma_start3A_99 : memref<1x128x128xf32, #tpu.memory_space<hbm>> -> memref<128x128xf32, #tpu.memory_space<hbm>>
      tpu.enqueue_dma source(%arg11 : memref<128x128xf32, #tpu.memory_space<vmem>>) target(%dma_start3A_100 : memref<128x128xf32, #tpu.memory_space<hbm>>) target_semaphore(%run_scoped3A : memref<!tpu.dma_semaphore, #tpu.memory_space<semaphore_mem>>)
      %dma_wait3A = arith.constant 0 : i32
      %dma_wait3A_101 = tpu.memref_slice %arg8[%arg0, %add3A_87, %dma_wait3A] : memref<2x10240x128xf32, #tpu.memory_space<hbm>> -> memref<1x128x128xf32, #tpu.memory_space<hbm>>
      %dma_wait3A_102 = tpu.memref_squeeze %dma_wait3A_101 : memref<1x128x128xf32, #tpu.memory_space<hbm>> -> memref<128x128xf32, #tpu.memory_space<hbm>>
      %dma_wait3A_103 = arith.constant 0 : i32
      %dma_wait3A_104 = tpu.memref_slice %arg8[%arg0, %add3A_87, %dma_wait3A_103] : memref<2x10240x128xf32, #tpu.memory_space<hbm>> -> memref<1x128x128xf32, #tpu.memory_space<hbm>>
      %dma_wait3A_105 = tpu.memref_squeeze %dma_wait3A_104 : memref<1x128x128xf32, #tpu.memory_space<hbm>> -> memref<128x128xf32, #tpu.memory_space<hbm>>
      tpu.wait_dma2 semaphore(%run_scoped3A : memref<!tpu.dma_semaphore, #tpu.memory_space<semaphore_mem>>) src(%arg11 : memref<128x128xf32, #tpu.memory_space<vmem>>) dst(%dma_wait3A_105 : memref<128x128xf32, #tpu.memory_space<hbm>>)
      tpu.yield
    }) : () -> ()
    %mul3A_88 = arith.constant 640 : i32
    %mul3A_89 = arith.muli %arg1, %mul3A_88 : i32
    %add3A_90 = arith.constant 384 : i32
    %add3A_91 = arith.addi %mul3A_89, %add3A_90 : i32
    "tpu.region"() ({
      %run_scoped3A = tpu.sem_alloc : memref<!tpu.dma_semaphore, #tpu.memory_space<semaphore_mem>>
      %dma_start3A = arith.constant 0 : i32
      %dma_start3A_96 = tpu.memref_slice %arg12[%add3A_91, %dma_start3A] : memref<10240x128xf32, #tpu.memory_space<vmem_shared>> -> memref<128x128xf32, #tpu.memory_space<vmem_shared>>
      %dma_start3A_97 = arith.constant 0 : i32
      %dma_start3A_98 = tpu.memref_slice %arg12[%add3A_91, %dma_start3A_97] : memref<10240x128xf32, #tpu.memory_space<vmem_shared>> -> memref<128x128xf32, #tpu.memory_space<vmem_shared>>
      tpu.enqueue_dma source(%dma_start3A_98 : memref<128x128xf32, #tpu.memory_space<vmem_shared>>) target(%arg11 : memref<128x128xf32, #tpu.memory_space<vmem>>) target_semaphore(%run_scoped3A : memref<!tpu.dma_semaphore, #tpu.memory_space<semaphore_mem>>)
      %dma_wait3A = arith.constant 0 : i32
      %dma_wait3A_99 = tpu.memref_slice %arg12[%add3A_91, %dma_wait3A] : memref<10240x128xf32, #tpu.memory_space<vmem_shared>> -> memref<128x128xf32, #tpu.memory_space<vmem_shared>>
      %dma_wait3A_100 = arith.constant 0 : i32
      %dma_wait3A_101 = tpu.memref_slice %arg12[%add3A_91, %dma_wait3A_100] : memref<10240x128xf32, #tpu.memory_space<vmem_shared>> -> memref<128x128xf32, #tpu.memory_space<vmem_shared>>
      tpu.wait_dma2 semaphore(%run_scoped3A : memref<!tpu.dma_semaphore, #tpu.memory_space<semaphore_mem>>) src(%dma_wait3A_101 : memref<128x128xf32, #tpu.memory_space<vmem_shared>>) dst(%arg11 : memref<128x128xf32, #tpu.memory_space<vmem>>)
      tpu.yield
    }) : () -> ()
    "tpu.region"() ({
      %run_scoped3A = tpu.sem_alloc : memref<!tpu.dma_semaphore, #tpu.memory_space<semaphore_mem>>
      %dma_start3A = arith.constant 0 : i32
      %dma_start3A_96 = tpu.memref_slice %arg8[%arg0, %add3A_91, %dma_start3A] : memref<2x10240x128xf32, #tpu.memory_space<hbm>> -> memref<1x128x128xf32, #tpu.memory_space<hbm>>
      %dma_start3A_97 = tpu.memref_squeeze %dma_start3A_96 : memref<1x128x128xf32, #tpu.memory_space<hbm>> -> memref<128x128xf32, #tpu.memory_space<hbm>>
      %dma_start3A_98 = arith.constant 0 : i32
      %dma_start3A_99 = tpu.memref_slice %arg8[%arg0, %add3A_91, %dma_start3A_98] : memref<2x10240x128xf32, #tpu.memory_space<hbm>> -> memref<1x128x128xf32, #tpu.memory_space<hbm>>
      %dma_start3A_100 = tpu.memref_squeeze %dma_start3A_99 : memref<1x128x128xf32, #tpu.memory_space<hbm>> -> memref<128x128xf32, #tpu.memory_space<hbm>>
      tpu.enqueue_dma source(%arg11 : memref<128x128xf32, #tpu.memory_space<vmem>>) target(%dma_start3A_100 : memref<128x128xf32, #tpu.memory_space<hbm>>) target_semaphore(%run_scoped3A : memref<!tpu.dma_semaphore, #tpu.memory_space<semaphore_mem>>)
      %dma_wait3A = arith.constant 0 : i32
      %dma_wait3A_101 = tpu.memref_slice %arg8[%arg0, %add3A_91, %dma_wait3A] : memref<2x10240x128xf32, #tpu.memory_space<hbm>> -> memref<1x128x128xf32, #tpu.memory_space<hbm>>
      %dma_wait3A_102 = tpu.memref_squeeze %dma_wait3A_101 : memref<1x128x128xf32, #tpu.memory_space<hbm>> -> memref<128x128xf32, #tpu.memory_space<hbm>>
      %dma_wait3A_103 = arith.constant 0 : i32
      %dma_wait3A_104 = tpu.memref_slice %arg8[%arg0, %add3A_91, %dma_wait3A_103] : memref<2x10240x128xf32, #tpu.memory_space<hbm>> -> memref<1x128x128xf32, #tpu.memory_space<hbm>>
      %dma_wait3A_105 = tpu.memref_squeeze %dma_wait3A_104 : memref<1x128x128xf32, #tpu.memory_space<hbm>> -> memref<128x128xf32, #tpu.memory_space<hbm>>
      tpu.wait_dma2 semaphore(%run_scoped3A : memref<!tpu.dma_semaphore, #tpu.memory_space<semaphore_mem>>) src(%arg11 : memref<128x128xf32, #tpu.memory_space<vmem>>) dst(%dma_wait3A_105 : memref<128x128xf32, #tpu.memory_space<hbm>>)
      tpu.yield
    }) : () -> ()
    %mul3A_92 = arith.constant 640 : i32
    %mul3A_93 = arith.muli %arg1, %mul3A_92 : i32
    %add3A_94 = arith.constant 512 : i32
    %add3A_95 = arith.addi %mul3A_93, %add3A_94 : i32
    "tpu.region"() ({
      %run_scoped3A = tpu.sem_alloc : memref<!tpu.dma_semaphore, #tpu.memory_space<semaphore_mem>>
      %dma_start3A = arith.constant 0 : i32
      %dma_start3A_96 = tpu.memref_slice %arg12[%add3A_95, %dma_start3A] : memref<10240x128xf32, #tpu.memory_space<vmem_shared>> -> memref<128x128xf32, #tpu.memory_space<vmem_shared>>
      %dma_start3A_97 = arith.constant 0 : i32
      %dma_start3A_98 = tpu.memref_slice %arg12[%add3A_95, %dma_start3A_97] : memref<10240x128xf32, #tpu.memory_space<vmem_shared>> -> memref<128x128xf32, #tpu.memory_space<vmem_shared>>
      tpu.enqueue_dma source(%dma_start3A_98 : memref<128x128xf32, #tpu.memory_space<vmem_shared>>) target(%arg11 : memref<128x128xf32, #tpu.memory_space<vmem>>) target_semaphore(%run_scoped3A : memref<!tpu.dma_semaphore, #tpu.memory_space<semaphore_mem>>)
      %dma_wait3A = arith.constant 0 : i32
      %dma_wait3A_99 = tpu.memref_slice %arg12[%add3A_95, %dma_wait3A] : memref<10240x128xf32, #tpu.memory_space<vmem_shared>> -> memref<128x128xf32, #tpu.memory_space<vmem_shared>>
      %dma_wait3A_100 = arith.constant 0 : i32
      %dma_wait3A_101 = tpu.memref_slice %arg12[%add3A_95, %dma_wait3A_100] : memref<10240x128xf32, #tpu.memory_space<vmem_shared>> -> memref<128x128xf32, #tpu.memory_space<vmem_shared>>
      tpu.wait_dma2 semaphore(%run_scoped3A : memref<!tpu.dma_semaphore, #tpu.memory_space<semaphore_mem>>) src(%dma_wait3A_101 : memref<128x128xf32, #tpu.memory_space<vmem_shared>>) dst(%arg11 : memref<128x128xf32, #tpu.memory_space<vmem>>)
      tpu.yield
    }) : () -> ()
    "tpu.region"() ({
      %run_scoped3A = tpu.sem_alloc : memref<!tpu.dma_semaphore, #tpu.memory_space<semaphore_mem>>
      %dma_start3A = arith.constant 0 : i32
      %dma_start3A_96 = tpu.memref_slice %arg8[%arg0, %add3A_95, %dma_start3A] : memref<2x10240x128xf32, #tpu.memory_space<hbm>> -> memref<1x128x128xf32, #tpu.memory_space<hbm>>
      %dma_start3A_97 = tpu.memref_squeeze %dma_start3A_96 : memref<1x128x128xf32, #tpu.memory_space<hbm>> -> memref<128x128xf32, #tpu.memory_space<hbm>>
      %dma_start3A_98 = arith.constant 0 : i32
      %dma_start3A_99 = tpu.memref_slice %arg8[%arg0, %add3A_95, %dma_start3A_98] : memref<2x10240x128xf32, #tpu.memory_space<hbm>> -> memref<1x128x128xf32, #tpu.memory_space<hbm>>
      %dma_start3A_100 = tpu.memref_squeeze %dma_start3A_99 : memref<1x128x128xf32, #tpu.memory_space<hbm>> -> memref<128x128xf32, #tpu.memory_space<hbm>>
      tpu.enqueue_dma source(%arg11 : memref<128x128xf32, #tpu.memory_space<vmem>>) target(%dma_start3A_100 : memref<128x128xf32, #tpu.memory_space<hbm>>) target_semaphore(%run_scoped3A : memref<!tpu.dma_semaphore, #tpu.memory_space<semaphore_mem>>)
      %dma_wait3A = arith.constant 0 : i32
      %dma_wait3A_101 = tpu.memref_slice %arg8[%arg0, %add3A_95, %dma_wait3A] : memref<2x10240x128xf32, #tpu.memory_space<hbm>> -> memref<1x128x128xf32, #tpu.memory_space<hbm>>
      %dma_wait3A_102 = tpu.memref_squeeze %dma_wait3A_101 : memref<1x128x128xf32, #tpu.memory_space<hbm>> -> memref<128x128xf32, #tpu.memory_space<hbm>>
      %dma_wait3A_103 = arith.constant 0 : i32
      %dma_wait3A_104 = tpu.memref_slice %arg8[%arg0, %add3A_95, %dma_wait3A_103] : memref<2x10240x128xf32, #tpu.memory_space<hbm>> -> memref<1x128x128xf32, #tpu.memory_space<hbm>>
      %dma_wait3A_105 = tpu.memref_squeeze %dma_wait3A_104 : memref<1x128x128xf32, #tpu.memory_space<hbm>> -> memref<128x128xf32, #tpu.memory_space<hbm>>
      tpu.wait_dma2 semaphore(%run_scoped3A : memref<!tpu.dma_semaphore, #tpu.memory_space<semaphore_mem>>) src(%arg11 : memref<128x128xf32, #tpu.memory_space<vmem>>) dst(%dma_wait3A_105 : memref<128x128xf32, #tpu.memory_space<hbm>>)
      tpu.yield
    }) : () -> ()
    return
  }
}

#map = affine_map<(d0, d1) -> (0, 0)>
#map1 = affine_map<(d0, d1) -> (0, 0, 0)>
module attributes {stable_mosaic.version = 14 : i64} {
  func.func @body(%arg0: i32, %arg1: i32, %arg2: memref<10240x128xf32, #tpu.memory_space<hbm>>, %arg3: memref<32x79x128xi32, #tpu.memory_space<hbm>>, %arg4: memref<32x79x128xi32, #tpu.memory_space<hbm>>, %arg5: memref<128x128xf32, #tpu.memory_space<hbm>>, %arg6: memref<2x10240x128xf32, #tpu.memory_space<hbm>>, %arg7: memref<1x128xi32, #tpu.memory_space<vmem>>, %arg8: memref<1x128xi32, #tpu.memory_space<vmem>>, %arg9: memref<128x128xf32, #tpu.memory_space<vmem>>, %arg10: memref<10240x128xf32, #tpu.memory_space<vmem_shared>>, %arg11: memref<!tpu.dma_semaphore, #tpu.memory_space<semaphore_mem>>) attributes {dimension_semantics = [#tpu.dimension_semantics<core_parallel>, #tpu.dimension_semantics<subcore_parallel>], iteration_bounds = array<i64: 2, 16>, scalar_prefetch = 0 : i64, scratch_operands = 5 : i64, tpu.core_type = #tpu.core_type<sc_vector_subcore>, window_params = [{transform_indices = #map}, {transform_indices = #map1}, {transform_indices = #map1}, {transform_indices = #map}, {transform_indices = #map1}]} {
    %mul3A = arith.constant 16 : i32
    %mul3A_0 = arith.muli %arg0, %mul3A : i32
    %add3A = arith.addi %mul3A_0, %arg1 : i32
    "tpu.region"() ({
      %run_scoped3A = tpu.sem_alloc : memref<!tpu.dma_semaphore, #tpu.memory_space<semaphore_mem>>
      tpu.enqueue_dma source(%arg5 : memref<128x128xf32, #tpu.memory_space<hbm>>) target(%arg9 : memref<128x128xf32, #tpu.memory_space<vmem>>) target_semaphore(%run_scoped3A : memref<!tpu.dma_semaphore, #tpu.memory_space<semaphore_mem>>)
      tpu.wait_dma2 semaphore(%run_scoped3A : memref<!tpu.dma_semaphore, #tpu.memory_space<semaphore_mem>>) src(%arg5 : memref<128x128xf32, #tpu.memory_space<hbm>>) dst(%arg9 : memref<128x128xf32, #tpu.memory_space<vmem>>)
      tpu.yield
    }) : () -> ()
    %mul3A_1 = arith.constant 640 : i32
    %mul3A_2 = arith.muli %arg1, %mul3A_1 : i32
    %add3A_3 = arith.constant 0 : i32
    %add3A_4 = arith.addi %mul3A_2, %add3A_3 : i32
    "tpu.region"() ({
      %run_scoped3A = tpu.sem_alloc : memref<!tpu.dma_semaphore, #tpu.memory_space<semaphore_mem>>
      %dma_start3A = arith.constant 0 : i32
      %dma_start3A_47 = tpu.memref_slice %arg10[%add3A_4, %dma_start3A] : memref<10240x128xf32, #tpu.memory_space<vmem_shared>> -> memref<128x128xf32, #tpu.memory_space<vmem_shared>>
      %dma_start3A_48 = arith.constant 0 : i32
      %dma_start3A_49 = tpu.memref_slice %arg10[%add3A_4, %dma_start3A_48] : memref<10240x128xf32, #tpu.memory_space<vmem_shared>> -> memref<128x128xf32, #tpu.memory_space<vmem_shared>>
      tpu.enqueue_dma source(%arg9 : memref<128x128xf32, #tpu.memory_space<vmem>>) target(%dma_start3A_49 : memref<128x128xf32, #tpu.memory_space<vmem_shared>>) target_semaphore(%run_scoped3A : memref<!tpu.dma_semaphore, #tpu.memory_space<semaphore_mem>>)
      %dma_wait3A = arith.constant 0 : i32
      %dma_wait3A_50 = tpu.memref_slice %arg10[%add3A_4, %dma_wait3A] : memref<10240x128xf32, #tpu.memory_space<vmem_shared>> -> memref<128x128xf32, #tpu.memory_space<vmem_shared>>
      %dma_wait3A_51 = arith.constant 0 : i32
      %dma_wait3A_52 = tpu.memref_slice %arg10[%add3A_4, %dma_wait3A_51] : memref<10240x128xf32, #tpu.memory_space<vmem_shared>> -> memref<128x128xf32, #tpu.memory_space<vmem_shared>>
      tpu.wait_dma2 semaphore(%run_scoped3A : memref<!tpu.dma_semaphore, #tpu.memory_space<semaphore_mem>>) src(%arg9 : memref<128x128xf32, #tpu.memory_space<vmem>>) dst(%dma_wait3A_52 : memref<128x128xf32, #tpu.memory_space<vmem_shared>>)
      tpu.yield
    }) : () -> ()
    %mul3A_5 = arith.constant 640 : i32
    %mul3A_6 = arith.muli %arg1, %mul3A_5 : i32
    %add3A_7 = arith.constant 128 : i32
    %add3A_8 = arith.addi %mul3A_6, %add3A_7 : i32
    "tpu.region"() ({
      %run_scoped3A = tpu.sem_alloc : memref<!tpu.dma_semaphore, #tpu.memory_space<semaphore_mem>>
      %dma_start3A = arith.constant 0 : i32
      %dma_start3A_47 = tpu.memref_slice %arg10[%add3A_8, %dma_start3A] : memref<10240x128xf32, #tpu.memory_space<vmem_shared>> -> memref<128x128xf32, #tpu.memory_space<vmem_shared>>
      %dma_start3A_48 = arith.constant 0 : i32
      %dma_start3A_49 = tpu.memref_slice %arg10[%add3A_8, %dma_start3A_48] : memref<10240x128xf32, #tpu.memory_space<vmem_shared>> -> memref<128x128xf32, #tpu.memory_space<vmem_shared>>
      tpu.enqueue_dma source(%arg9 : memref<128x128xf32, #tpu.memory_space<vmem>>) target(%dma_start3A_49 : memref<128x128xf32, #tpu.memory_space<vmem_shared>>) target_semaphore(%run_scoped3A : memref<!tpu.dma_semaphore, #tpu.memory_space<semaphore_mem>>)
      %dma_wait3A = arith.constant 0 : i32
      %dma_wait3A_50 = tpu.memref_slice %arg10[%add3A_8, %dma_wait3A] : memref<10240x128xf32, #tpu.memory_space<vmem_shared>> -> memref<128x128xf32, #tpu.memory_space<vmem_shared>>
      %dma_wait3A_51 = arith.constant 0 : i32
      %dma_wait3A_52 = tpu.memref_slice %arg10[%add3A_8, %dma_wait3A_51] : memref<10240x128xf32, #tpu.memory_space<vmem_shared>> -> memref<128x128xf32, #tpu.memory_space<vmem_shared>>
      tpu.wait_dma2 semaphore(%run_scoped3A : memref<!tpu.dma_semaphore, #tpu.memory_space<semaphore_mem>>) src(%arg9 : memref<128x128xf32, #tpu.memory_space<vmem>>) dst(%dma_wait3A_52 : memref<128x128xf32, #tpu.memory_space<vmem_shared>>)
      tpu.yield
    }) : () -> ()
    %mul3A_9 = arith.constant 640 : i32
    %mul3A_10 = arith.muli %arg1, %mul3A_9 : i32
    %add3A_11 = arith.constant 256 : i32
    %add3A_12 = arith.addi %mul3A_10, %add3A_11 : i32
    "tpu.region"() ({
      %run_scoped3A = tpu.sem_alloc : memref<!tpu.dma_semaphore, #tpu.memory_space<semaphore_mem>>
      %dma_start3A = arith.constant 0 : i32
      %dma_start3A_47 = tpu.memref_slice %arg10[%add3A_12, %dma_start3A] : memref<10240x128xf32, #tpu.memory_space<vmem_shared>> -> memref<128x128xf32, #tpu.memory_space<vmem_shared>>
      %dma_start3A_48 = arith.constant 0 : i32
      %dma_start3A_49 = tpu.memref_slice %arg10[%add3A_12, %dma_start3A_48] : memref<10240x128xf32, #tpu.memory_space<vmem_shared>> -> memref<128x128xf32, #tpu.memory_space<vmem_shared>>
      tpu.enqueue_dma source(%arg9 : memref<128x128xf32, #tpu.memory_space<vmem>>) target(%dma_start3A_49 : memref<128x128xf32, #tpu.memory_space<vmem_shared>>) target_semaphore(%run_scoped3A : memref<!tpu.dma_semaphore, #tpu.memory_space<semaphore_mem>>)
      %dma_wait3A = arith.constant 0 : i32
      %dma_wait3A_50 = tpu.memref_slice %arg10[%add3A_12, %dma_wait3A] : memref<10240x128xf32, #tpu.memory_space<vmem_shared>> -> memref<128x128xf32, #tpu.memory_space<vmem_shared>>
      %dma_wait3A_51 = arith.constant 0 : i32
      %dma_wait3A_52 = tpu.memref_slice %arg10[%add3A_12, %dma_wait3A_51] : memref<10240x128xf32, #tpu.memory_space<vmem_shared>> -> memref<128x128xf32, #tpu.memory_space<vmem_shared>>
      tpu.wait_dma2 semaphore(%run_scoped3A : memref<!tpu.dma_semaphore, #tpu.memory_space<semaphore_mem>>) src(%arg9 : memref<128x128xf32, #tpu.memory_space<vmem>>) dst(%dma_wait3A_52 : memref<128x128xf32, #tpu.memory_space<vmem_shared>>)
      tpu.yield
    }) : () -> ()
    %mul3A_13 = arith.constant 640 : i32
    %mul3A_14 = arith.muli %arg1, %mul3A_13 : i32
    %add3A_15 = arith.constant 384 : i32
    %add3A_16 = arith.addi %mul3A_14, %add3A_15 : i32
    "tpu.region"() ({
      %run_scoped3A = tpu.sem_alloc : memref<!tpu.dma_semaphore, #tpu.memory_space<semaphore_mem>>
      %dma_start3A = arith.constant 0 : i32
      %dma_start3A_47 = tpu.memref_slice %arg10[%add3A_16, %dma_start3A] : memref<10240x128xf32, #tpu.memory_space<vmem_shared>> -> memref<128x128xf32, #tpu.memory_space<vmem_shared>>
      %dma_start3A_48 = arith.constant 0 : i32
      %dma_start3A_49 = tpu.memref_slice %arg10[%add3A_16, %dma_start3A_48] : memref<10240x128xf32, #tpu.memory_space<vmem_shared>> -> memref<128x128xf32, #tpu.memory_space<vmem_shared>>
      tpu.enqueue_dma source(%arg9 : memref<128x128xf32, #tpu.memory_space<vmem>>) target(%dma_start3A_49 : memref<128x128xf32, #tpu.memory_space<vmem_shared>>) target_semaphore(%run_scoped3A : memref<!tpu.dma_semaphore, #tpu.memory_space<semaphore_mem>>)
      %dma_wait3A = arith.constant 0 : i32
      %dma_wait3A_50 = tpu.memref_slice %arg10[%add3A_16, %dma_wait3A] : memref<10240x128xf32, #tpu.memory_space<vmem_shared>> -> memref<128x128xf32, #tpu.memory_space<vmem_shared>>
      %dma_wait3A_51 = arith.constant 0 : i32
      %dma_wait3A_52 = tpu.memref_slice %arg10[%add3A_16, %dma_wait3A_51] : memref<10240x128xf32, #tpu.memory_space<vmem_shared>> -> memref<128x128xf32, #tpu.memory_space<vmem_shared>>
      tpu.wait_dma2 semaphore(%run_scoped3A : memref<!tpu.dma_semaphore, #tpu.memory_space<semaphore_mem>>) src(%arg9 : memref<128x128xf32, #tpu.memory_space<vmem>>) dst(%dma_wait3A_52 : memref<128x128xf32, #tpu.memory_space<vmem_shared>>)
      tpu.yield
    }) : () -> ()
    %mul3A_17 = arith.constant 640 : i32
    %mul3A_18 = arith.muli %arg1, %mul3A_17 : i32
    %add3A_19 = arith.constant 512 : i32
    %add3A_20 = arith.addi %mul3A_18, %add3A_19 : i32
    "tpu.region"() ({
      %run_scoped3A = tpu.sem_alloc : memref<!tpu.dma_semaphore, #tpu.memory_space<semaphore_mem>>
      %dma_start3A = arith.constant 0 : i32
      %dma_start3A_47 = tpu.memref_slice %arg10[%add3A_20, %dma_start3A] : memref<10240x128xf32, #tpu.memory_space<vmem_shared>> -> memref<128x128xf32, #tpu.memory_space<vmem_shared>>
      %dma_start3A_48 = arith.constant 0 : i32
      %dma_start3A_49 = tpu.memref_slice %arg10[%add3A_20, %dma_start3A_48] : memref<10240x128xf32, #tpu.memory_space<vmem_shared>> -> memref<128x128xf32, #tpu.memory_space<vmem_shared>>
      tpu.enqueue_dma source(%arg9 : memref<128x128xf32, #tpu.memory_space<vmem>>) target(%dma_start3A_49 : memref<128x128xf32, #tpu.memory_space<vmem_shared>>) target_semaphore(%run_scoped3A : memref<!tpu.dma_semaphore, #tpu.memory_space<semaphore_mem>>)
      %dma_wait3A = arith.constant 0 : i32
      %dma_wait3A_50 = tpu.memref_slice %arg10[%add3A_20, %dma_wait3A] : memref<10240x128xf32, #tpu.memory_space<vmem_shared>> -> memref<128x128xf32, #tpu.memory_space<vmem_shared>>
      %dma_wait3A_51 = arith.constant 0 : i32
      %dma_wait3A_52 = tpu.memref_slice %arg10[%add3A_20, %dma_wait3A_51] : memref<10240x128xf32, #tpu.memory_space<vmem_shared>> -> memref<128x128xf32, #tpu.memory_space<vmem_shared>>
      tpu.wait_dma2 semaphore(%run_scoped3A : memref<!tpu.dma_semaphore, #tpu.memory_space<semaphore_mem>>) src(%arg9 : memref<128x128xf32, #tpu.memory_space<vmem>>) dst(%dma_wait3A_52 : memref<128x128xf32, #tpu.memory_space<vmem_shared>>)
      tpu.yield
    }) : () -> ()
    %barrier3A = arith.constant 0 : index
    tpu.barrier barrier_id(%barrier3A)
    %scan3A = arith.constant 0 : i32
    %scan3A_21 = arith.constant 0 : i32
    %scan3A_22 = arith.constant 79 : i32
    %scan3A_23 = arith.addi %scan3A_21, %scan3A_22 : i32
    %scan3A_24 = arith.constant 1 : i32
    scf.for %scan3A_47 = %scan3A_21 to %scan3A_23 step %scan3A_24  : i32 {
      %run_scoped3A = arith.constant 0 : i32
      "tpu.region"() ({
        %run_scoped3A_62 = tpu.sem_alloc : memref<!tpu.dma_semaphore, #tpu.memory_space<semaphore_mem>>
        %dma_start3A_63 = arith.constant 0 : i32
        %dma_start3A_64 = tpu.memref_slice %arg7[%run_scoped3A, %dma_start3A_63] : memref<1x128xi32, #tpu.memory_space<vmem>> -> memref<1x128xi32, #tpu.memory_space<vmem>>
        %dma_start3A_65 = tpu.memref_squeeze %dma_start3A_64 : memref<1x128xi32, #tpu.memory_space<vmem>> -> memref<128xi32, #tpu.memory_space<vmem>>
        %dma_start3A_66 = arith.constant 0 : i32
        %dma_start3A_67 = tpu.memref_slice %arg3[%add3A, %scan3A_47, %dma_start3A_66] : memref<32x79x128xi32, #tpu.memory_space<hbm>> -> memref<1x1x128xi32, #tpu.memory_space<hbm>>
        %dma_start3A_68 = tpu.memref_squeeze %dma_start3A_67 : memref<1x1x128xi32, #tpu.memory_space<hbm>> -> memref<128xi32, #tpu.memory_space<hbm>>
        %dma_start3A_69 = arith.constant 0 : i32
        %dma_start3A_70 = tpu.memref_slice %arg7[%run_scoped3A, %dma_start3A_69] : memref<1x128xi32, #tpu.memory_space<vmem>> -> memref<1x128xi32, #tpu.memory_space<vmem>>
        %dma_start3A_71 = tpu.memref_squeeze %dma_start3A_70 : memref<1x128xi32, #tpu.memory_space<vmem>> -> memref<128xi32, #tpu.memory_space<vmem>>
        %dma_start3A_72 = arith.constant 0 : i32
        %dma_start3A_73 = tpu.memref_slice %arg3[%add3A, %scan3A_47, %dma_start3A_72] : memref<32x79x128xi32, #tpu.memory_space<hbm>> -> memref<1x1x128xi32, #tpu.memory_space<hbm>>
        %dma_start3A_74 = tpu.memref_squeeze %dma_start3A_73 : memref<1x1x128xi32, #tpu.memory_space<hbm>> -> memref<128xi32, #tpu.memory_space<hbm>>
        tpu.enqueue_dma source(%dma_start3A_74 : memref<128xi32, #tpu.memory_space<hbm>>) target(%dma_start3A_71 : memref<128xi32, #tpu.memory_space<vmem>>) target_semaphore(%run_scoped3A_62 : memref<!tpu.dma_semaphore, #tpu.memory_space<semaphore_mem>>)
        %dma_wait3A_75 = arith.constant 0 : i32
        %dma_wait3A_76 = tpu.memref_slice %arg7[%run_scoped3A, %dma_wait3A_75] : memref<1x128xi32, #tpu.memory_space<vmem>> -> memref<1x128xi32, #tpu.memory_space<vmem>>
        %dma_wait3A_77 = tpu.memref_squeeze %dma_wait3A_76 : memref<1x128xi32, #tpu.memory_space<vmem>> -> memref<128xi32, #tpu.memory_space<vmem>>
        %dma_wait3A_78 = arith.constant 0 : i32
        %dma_wait3A_79 = tpu.memref_slice %arg3[%add3A, %scan3A_47, %dma_wait3A_78] : memref<32x79x128xi32, #tpu.memory_space<hbm>> -> memref<1x1x128xi32, #tpu.memory_space<hbm>>
        %dma_wait3A_80 = tpu.memref_squeeze %dma_wait3A_79 : memref<1x1x128xi32, #tpu.memory_space<hbm>> -> memref<128xi32, #tpu.memory_space<hbm>>
        %dma_wait3A_81 = arith.constant 0 : i32
        %dma_wait3A_82 = tpu.memref_slice %arg7[%run_scoped3A, %dma_wait3A_81] : memref<1x128xi32, #tpu.memory_space<vmem>> -> memref<1x128xi32, #tpu.memory_space<vmem>>
        %dma_wait3A_83 = tpu.memref_squeeze %dma_wait3A_82 : memref<1x128xi32, #tpu.memory_space<vmem>> -> memref<128xi32, #tpu.memory_space<vmem>>
        %dma_wait3A_84 = arith.constant 0 : i32
        %dma_wait3A_85 = tpu.memref_slice %arg3[%add3A, %scan3A_47, %dma_wait3A_84] : memref<32x79x128xi32, #tpu.memory_space<hbm>> -> memref<1x1x128xi32, #tpu.memory_space<hbm>>
        %dma_wait3A_86 = tpu.memref_squeeze %dma_wait3A_85 : memref<1x1x128xi32, #tpu.memory_space<hbm>> -> memref<128xi32, #tpu.memory_space<hbm>>
        tpu.wait_dma2 semaphore(%run_scoped3A_62 : memref<!tpu.dma_semaphore, #tpu.memory_space<semaphore_mem>>) src(%dma_wait3A_86 : memref<128xi32, #tpu.memory_space<hbm>>) dst(%dma_wait3A_83 : memref<128xi32, #tpu.memory_space<vmem>>)
        tpu.yield
      }) : () -> ()
      %run_scoped3A_48 = arith.constant 0 : i32
      "tpu.region"() ({
        %run_scoped3A_62 = tpu.sem_alloc : memref<!tpu.dma_semaphore, #tpu.memory_space<semaphore_mem>>
        %dma_start3A_63 = arith.constant 0 : i32
        %dma_start3A_64 = tpu.memref_slice %arg8[%run_scoped3A_48, %dma_start3A_63] : memref<1x128xi32, #tpu.memory_space<vmem>> -> memref<1x128xi32, #tpu.memory_space<vmem>>
        %dma_start3A_65 = tpu.memref_squeeze %dma_start3A_64 : memref<1x128xi32, #tpu.memory_space<vmem>> -> memref<128xi32, #tpu.memory_space<vmem>>
        %dma_start3A_66 = arith.constant 0 : i32
        %dma_start3A_67 = tpu.memref_slice %arg4[%add3A, %scan3A_47, %dma_start3A_66] : memref<32x79x128xi32, #tpu.memory_space<hbm>> -> memref<1x1x128xi32, #tpu.memory_space<hbm>>
        %dma_start3A_68 = tpu.memref_squeeze %dma_start3A_67 : memref<1x1x128xi32, #tpu.memory_space<hbm>> -> memref<128xi32, #tpu.memory_space<hbm>>
        %dma_start3A_69 = arith.constant 0 : i32
        %dma_start3A_70 = tpu.memref_slice %arg8[%run_scoped3A_48, %dma_start3A_69] : memref<1x128xi32, #tpu.memory_space<vmem>> -> memref<1x128xi32, #tpu.memory_space<vmem>>
        %dma_start3A_71 = tpu.memref_squeeze %dma_start3A_70 : memref<1x128xi32, #tpu.memory_space<vmem>> -> memref<128xi32, #tpu.memory_space<vmem>>
        %dma_start3A_72 = arith.constant 0 : i32
        %dma_start3A_73 = tpu.memref_slice %arg4[%add3A, %scan3A_47, %dma_start3A_72] : memref<32x79x128xi32, #tpu.memory_space<hbm>> -> memref<1x1x128xi32, #tpu.memory_space<hbm>>
        %dma_start3A_74 = tpu.memref_squeeze %dma_start3A_73 : memref<1x1x128xi32, #tpu.memory_space<hbm>> -> memref<128xi32, #tpu.memory_space<hbm>>
        tpu.enqueue_dma source(%dma_start3A_74 : memref<128xi32, #tpu.memory_space<hbm>>) target(%dma_start3A_71 : memref<128xi32, #tpu.memory_space<vmem>>) target_semaphore(%run_scoped3A_62 : memref<!tpu.dma_semaphore, #tpu.memory_space<semaphore_mem>>)
        %dma_wait3A_75 = arith.constant 0 : i32
        %dma_wait3A_76 = tpu.memref_slice %arg8[%run_scoped3A_48, %dma_wait3A_75] : memref<1x128xi32, #tpu.memory_space<vmem>> -> memref<1x128xi32, #tpu.memory_space<vmem>>
        %dma_wait3A_77 = tpu.memref_squeeze %dma_wait3A_76 : memref<1x128xi32, #tpu.memory_space<vmem>> -> memref<128xi32, #tpu.memory_space<vmem>>
        %dma_wait3A_78 = arith.constant 0 : i32
        %dma_wait3A_79 = tpu.memref_slice %arg4[%add3A, %scan3A_47, %dma_wait3A_78] : memref<32x79x128xi32, #tpu.memory_space<hbm>> -> memref<1x1x128xi32, #tpu.memory_space<hbm>>
        %dma_wait3A_80 = tpu.memref_squeeze %dma_wait3A_79 : memref<1x1x128xi32, #tpu.memory_space<hbm>> -> memref<128xi32, #tpu.memory_space<hbm>>
        %dma_wait3A_81 = arith.constant 0 : i32
        %dma_wait3A_82 = tpu.memref_slice %arg8[%run_scoped3A_48, %dma_wait3A_81] : memref<1x128xi32, #tpu.memory_space<vmem>> -> memref<1x128xi32, #tpu.memory_space<vmem>>
        %dma_wait3A_83 = tpu.memref_squeeze %dma_wait3A_82 : memref<1x128xi32, #tpu.memory_space<vmem>> -> memref<128xi32, #tpu.memory_space<vmem>>
        %dma_wait3A_84 = arith.constant 0 : i32
        %dma_wait3A_85 = tpu.memref_slice %arg4[%add3A, %scan3A_47, %dma_wait3A_84] : memref<32x79x128xi32, #tpu.memory_space<hbm>> -> memref<1x1x128xi32, #tpu.memory_space<hbm>>
        %dma_wait3A_86 = tpu.memref_squeeze %dma_wait3A_85 : memref<1x1x128xi32, #tpu.memory_space<hbm>> -> memref<128xi32, #tpu.memory_space<hbm>>
        tpu.wait_dma2 semaphore(%run_scoped3A_62 : memref<!tpu.dma_semaphore, #tpu.memory_space<semaphore_mem>>) src(%dma_wait3A_86 : memref<128xi32, #tpu.memory_space<hbm>>) dst(%dma_wait3A_83 : memref<128xi32, #tpu.memory_space<vmem>>)
        tpu.yield
      }) : () -> ()
      %dma_start3A = arith.constant 0 : i32
      %dma_start3A_49 = arith.constant 0 : i32
      %dma_start3A_50 = tpu.memref_slice %arg7[%dma_start3A, %dma_start3A_49] : memref<1x128xi32, #tpu.memory_space<vmem>> -> memref<1x128xi32, #tpu.memory_space<vmem>>
      %dma_start3A_51 = tpu.memref_squeeze %dma_start3A_50 : memref<1x128xi32, #tpu.memory_space<vmem>> -> memref<128xi32, #tpu.memory_space<vmem>>
      %dma_start3A_52 = arith.constant 0 : i32
      %dma_start3A_53 = arith.constant 0 : i32
      %dma_start3A_54 = tpu.memref_slice %arg2[%dma_start3A_52, %dma_start3A_53] : memref<10240x128xf32, #tpu.memory_space<hbm>> -> memref<10240x128xf32, #tpu.memory_space<hbm>>
      tpu.enqueue_indirect_dma source(%dma_start3A_54 : memref<10240x128xf32, #tpu.memory_space<hbm>>) target(%arg9 : memref<128x128xf32, #tpu.memory_space<vmem>>) offsets(%dma_start3A_51 : memref<128xi32, #tpu.memory_space<vmem>>) semaphore(%arg11 : memref<!tpu.dma_semaphore, #tpu.memory_space<semaphore_mem>>)
      %dma_wait3A = arith.constant 0 : i32
      %dma_wait3A_55 = arith.constant 0 : i32
      %dma_wait3A_56 = tpu.memref_slice %arg7[%dma_wait3A, %dma_wait3A_55] : memref<1x128xi32, #tpu.memory_space<vmem>> -> memref<1x128xi32, #tpu.memory_space<vmem>>
      %dma_wait3A_57 = tpu.memref_squeeze %dma_wait3A_56 : memref<1x128xi32, #tpu.memory_space<vmem>> -> memref<128xi32, #tpu.memory_space<vmem>>
      %dma_wait3A_58 = arith.constant 0 : i32
      %dma_wait3A_59 = arith.constant 0 : i32
      %dma_wait3A_60 = tpu.memref_slice %arg2[%dma_wait3A_58, %dma_wait3A_59] : memref<10240x128xf32, #tpu.memory_space<hbm>> -> memref<10240x128xf32, #tpu.memory_space<hbm>>
      tpu.wait_indirect_dma semaphore(%arg11 : memref<!tpu.dma_semaphore, #tpu.memory_space<semaphore_mem>>) src(%dma_wait3A_60 : memref<10240x128xf32, #tpu.memory_space<hbm>>) dst(%arg9 : memref<128x128xf32, #tpu.memory_space<vmem>>)
      %run_scoped3A_61 = arith.constant 0 : i32
      "tpu.region"() ({
        %run_scoped3A_62 = tpu.sem_alloc : memref<!tpu.dma_semaphore, #tpu.memory_space<semaphore_mem>>
        %dma_start3A_63 = arith.constant 0 : i32
        %dma_start3A_64 = tpu.memref_slice %arg8[%run_scoped3A_61, %dma_start3A_63] : memref<1x128xi32, #tpu.memory_space<vmem>> -> memref<1x128xi32, #tpu.memory_space<vmem>>
        %dma_start3A_65 = tpu.memref_squeeze %dma_start3A_64 : memref<1x128xi32, #tpu.memory_space<vmem>> -> memref<128xi32, #tpu.memory_space<vmem>>
        %dma_start3A_66 = arith.constant 0 : i32
        %dma_start3A_67 = arith.constant 0 : i32
        %dma_start3A_68 = tpu.memref_slice %arg10[%dma_start3A_66, %dma_start3A_67] : memref<10240x128xf32, #tpu.memory_space<vmem_shared>> -> memref<10240x128xf32, #tpu.memory_space<vmem_shared>>
        tpu.enqueue_indirect_dma source(%arg9 : memref<128x128xf32, #tpu.memory_space<vmem>>) target(%dma_start3A_68 : memref<10240x128xf32, #tpu.memory_space<vmem_shared>>) offsets(%dma_start3A_65 : memref<128xi32, #tpu.memory_space<vmem>>) semaphore(%run_scoped3A_62 : memref<!tpu.dma_semaphore, #tpu.memory_space<semaphore_mem>>) {add = true}
        %dma_wait3A_69 = arith.constant 0 : i32
        %dma_wait3A_70 = tpu.memref_slice %arg8[%run_scoped3A_61, %dma_wait3A_69] : memref<1x128xi32, #tpu.memory_space<vmem>> -> memref<1x128xi32, #tpu.memory_space<vmem>>
        %dma_wait3A_71 = tpu.memref_squeeze %dma_wait3A_70 : memref<1x128xi32, #tpu.memory_space<vmem>> -> memref<128xi32, #tpu.memory_space<vmem>>
        %dma_wait3A_72 = arith.constant 0 : i32
        %dma_wait3A_73 = arith.constant 0 : i32
        %dma_wait3A_74 = tpu.memref_slice %arg10[%dma_wait3A_72, %dma_wait3A_73] : memref<10240x128xf32, #tpu.memory_space<vmem_shared>> -> memref<10240x128xf32, #tpu.memory_space<vmem_shared>>
        tpu.wait_indirect_dma semaphore(%run_scoped3A_62 : memref<!tpu.dma_semaphore, #tpu.memory_space<semaphore_mem>>) src(%arg9 : memref<128x128xf32, #tpu.memory_space<vmem>>) dst(%dma_wait3A_74 : memref<10240x128xf32, #tpu.memory_space<vmem_shared>>)
        tpu.yield
      }) : () -> ()
    }
    %scan3A_25 = arith.constant 79 : i32
    %barrier3A_26 = arith.constant 0 : index
    tpu.barrier barrier_id(%barrier3A_26)
    %mul3A_27 = arith.constant 640 : i32
    %mul3A_28 = arith.muli %arg1, %mul3A_27 : i32
    %add3A_29 = arith.constant 0 : i32
    %add3A_30 = arith.addi %mul3A_28, %add3A_29 : i32
    "tpu.region"() ({
      %run_scoped3A = tpu.sem_alloc : memref<!tpu.dma_semaphore, #tpu.memory_space<semaphore_mem>>
      %dma_start3A = arith.constant 0 : i32
      %dma_start3A_47 = tpu.memref_slice %arg10[%add3A_30, %dma_start3A] : memref<10240x128xf32, #tpu.memory_space<vmem_shared>> -> memref<128x128xf32, #tpu.memory_space<vmem_shared>>
      %dma_start3A_48 = arith.constant 0 : i32
      %dma_start3A_49 = tpu.memref_slice %arg10[%add3A_30, %dma_start3A_48] : memref<10240x128xf32, #tpu.memory_space<vmem_shared>> -> memref<128x128xf32, #tpu.memory_space<vmem_shared>>
      tpu.enqueue_dma source(%dma_start3A_49 : memref<128x128xf32, #tpu.memory_space<vmem_shared>>) target(%arg9 : memref<128x128xf32, #tpu.memory_space<vmem>>) target_semaphore(%run_scoped3A : memref<!tpu.dma_semaphore, #tpu.memory_space<semaphore_mem>>)
      %dma_wait3A = arith.constant 0 : i32
      %dma_wait3A_50 = tpu.memref_slice %arg10[%add3A_30, %dma_wait3A] : memref<10240x128xf32, #tpu.memory_space<vmem_shared>> -> memref<128x128xf32, #tpu.memory_space<vmem_shared>>
      %dma_wait3A_51 = arith.constant 0 : i32
      %dma_wait3A_52 = tpu.memref_slice %arg10[%add3A_30, %dma_wait3A_51] : memref<10240x128xf32, #tpu.memory_space<vmem_shared>> -> memref<128x128xf32, #tpu.memory_space<vmem_shared>>
      tpu.wait_dma2 semaphore(%run_scoped3A : memref<!tpu.dma_semaphore, #tpu.memory_space<semaphore_mem>>) src(%dma_wait3A_52 : memref<128x128xf32, #tpu.memory_space<vmem_shared>>) dst(%arg9 : memref<128x128xf32, #tpu.memory_space<vmem>>)
      tpu.yield
    }) : () -> ()
    "tpu.region"() ({
      %run_scoped3A = tpu.sem_alloc : memref<!tpu.dma_semaphore, #tpu.memory_space<semaphore_mem>>
      %dma_start3A = arith.constant 0 : i32
      %dma_start3A_47 = tpu.memref_slice %arg6[%arg0, %add3A_30, %dma_start3A] : memref<2x10240x128xf32, #tpu.memory_space<hbm>> -> memref<1x128x128xf32, #tpu.memory_space<hbm>>
      %dma_start3A_48 = tpu.memref_squeeze %dma_start3A_47 : memref<1x128x128xf32, #tpu.memory_space<hbm>> -> memref<128x128xf32, #tpu.memory_space<hbm>>
      %dma_start3A_49 = arith.constant 0 : i32
      %dma_start3A_50 = tpu.memref_slice %arg6[%arg0, %add3A_30, %dma_start3A_49] : memref<2x10240x128xf32, #tpu.memory_space<hbm>> -> memref<1x128x128xf32, #tpu.memory_space<hbm>>
      %dma_start3A_51 = tpu.memref_squeeze %dma_start3A_50 : memref<1x128x128xf32, #tpu.memory_space<hbm>> -> memref<128x128xf32, #tpu.memory_space<hbm>>
      tpu.enqueue_dma source(%arg9 : memref<128x128xf32, #tpu.memory_space<vmem>>) target(%dma_start3A_51 : memref<128x128xf32, #tpu.memory_space<hbm>>) target_semaphore(%run_scoped3A : memref<!tpu.dma_semaphore, #tpu.memory_space<semaphore_mem>>)
      %dma_wait3A = arith.constant 0 : i32
      %dma_wait3A_52 = tpu.memref_slice %arg6[%arg0, %add3A_30, %dma_wait3A] : memref<2x10240x128xf32, #tpu.memory_space<hbm>> -> memref<1x128x128xf32, #tpu.memory_space<hbm>>
      %dma_wait3A_53 = tpu.memref_squeeze %dma_wait3A_52 : memref<1x128x128xf32, #tpu.memory_space<hbm>> -> memref<128x128xf32, #tpu.memory_space<hbm>>
      %dma_wait3A_54 = arith.constant 0 : i32
      %dma_wait3A_55 = tpu.memref_slice %arg6[%arg0, %add3A_30, %dma_wait3A_54] : memref<2x10240x128xf32, #tpu.memory_space<hbm>> -> memref<1x128x128xf32, #tpu.memory_space<hbm>>
      %dma_wait3A_56 = tpu.memref_squeeze %dma_wait3A_55 : memref<1x128x128xf32, #tpu.memory_space<hbm>> -> memref<128x128xf32, #tpu.memory_space<hbm>>
      tpu.wait_dma2 semaphore(%run_scoped3A : memref<!tpu.dma_semaphore, #tpu.memory_space<semaphore_mem>>) src(%arg9 : memref<128x128xf32, #tpu.memory_space<vmem>>) dst(%dma_wait3A_56 : memref<128x128xf32, #tpu.memory_space<hbm>>)
      tpu.yield
    }) : () -> ()
    %mul3A_31 = arith.constant 640 : i32
    %mul3A_32 = arith.muli %arg1, %mul3A_31 : i32
    %add3A_33 = arith.constant 128 : i32
    %add3A_34 = arith.addi %mul3A_32, %add3A_33 : i32
    "tpu.region"() ({
      %run_scoped3A = tpu.sem_alloc : memref<!tpu.dma_semaphore, #tpu.memory_space<semaphore_mem>>
      %dma_start3A = arith.constant 0 : i32
      %dma_start3A_47 = tpu.memref_slice %arg10[%add3A_34, %dma_start3A] : memref<10240x128xf32, #tpu.memory_space<vmem_shared>> -> memref<128x128xf32, #tpu.memory_space<vmem_shared>>
      %dma_start3A_48 = arith.constant 0 : i32
      %dma_start3A_49 = tpu.memref_slice %arg10[%add3A_34, %dma_start3A_48] : memref<10240x128xf32, #tpu.memory_space<vmem_shared>> -> memref<128x128xf32, #tpu.memory_space<vmem_shared>>
      tpu.enqueue_dma source(%dma_start3A_49 : memref<128x128xf32, #tpu.memory_space<vmem_shared>>) target(%arg9 : memref<128x128xf32, #tpu.memory_space<vmem>>) target_semaphore(%run_scoped3A : memref<!tpu.dma_semaphore, #tpu.memory_space<semaphore_mem>>)
      %dma_wait3A = arith.constant 0 : i32
      %dma_wait3A_50 = tpu.memref_slice %arg10[%add3A_34, %dma_wait3A] : memref<10240x128xf32, #tpu.memory_space<vmem_shared>> -> memref<128x128xf32, #tpu.memory_space<vmem_shared>>
      %dma_wait3A_51 = arith.constant 0 : i32
      %dma_wait3A_52 = tpu.memref_slice %arg10[%add3A_34, %dma_wait3A_51] : memref<10240x128xf32, #tpu.memory_space<vmem_shared>> -> memref<128x128xf32, #tpu.memory_space<vmem_shared>>
      tpu.wait_dma2 semaphore(%run_scoped3A : memref<!tpu.dma_semaphore, #tpu.memory_space<semaphore_mem>>) src(%dma_wait3A_52 : memref<128x128xf32, #tpu.memory_space<vmem_shared>>) dst(%arg9 : memref<128x128xf32, #tpu.memory_space<vmem>>)
      tpu.yield
    }) : () -> ()
    "tpu.region"() ({
      %run_scoped3A = tpu.sem_alloc : memref<!tpu.dma_semaphore, #tpu.memory_space<semaphore_mem>>
      %dma_start3A = arith.constant 0 : i32
      %dma_start3A_47 = tpu.memref_slice %arg6[%arg0, %add3A_34, %dma_start3A] : memref<2x10240x128xf32, #tpu.memory_space<hbm>> -> memref<1x128x128xf32, #tpu.memory_space<hbm>>
      %dma_start3A_48 = tpu.memref_squeeze %dma_start3A_47 : memref<1x128x128xf32, #tpu.memory_space<hbm>> -> memref<128x128xf32, #tpu.memory_space<hbm>>
      %dma_start3A_49 = arith.constant 0 : i32
      %dma_start3A_50 = tpu.memref_slice %arg6[%arg0, %add3A_34, %dma_start3A_49] : memref<2x10240x128xf32, #tpu.memory_space<hbm>> -> memref<1x128x128xf32, #tpu.memory_space<hbm>>
      %dma_start3A_51 = tpu.memref_squeeze %dma_start3A_50 : memref<1x128x128xf32, #tpu.memory_space<hbm>> -> memref<128x128xf32, #tpu.memory_space<hbm>>
      tpu.enqueue_dma source(%arg9 : memref<128x128xf32, #tpu.memory_space<vmem>>) target(%dma_start3A_51 : memref<128x128xf32, #tpu.memory_space<hbm>>) target_semaphore(%run_scoped3A : memref<!tpu.dma_semaphore, #tpu.memory_space<semaphore_mem>>)
      %dma_wait3A = arith.constant 0 : i32
      %dma_wait3A_52 = tpu.memref_slice %arg6[%arg0, %add3A_34, %dma_wait3A] : memref<2x10240x128xf32, #tpu.memory_space<hbm>> -> memref<1x128x128xf32, #tpu.memory_space<hbm>>
      %dma_wait3A_53 = tpu.memref_squeeze %dma_wait3A_52 : memref<1x128x128xf32, #tpu.memory_space<hbm>> -> memref<128x128xf32, #tpu.memory_space<hbm>>
      %dma_wait3A_54 = arith.constant 0 : i32
      %dma_wait3A_55 = tpu.memref_slice %arg6[%arg0, %add3A_34, %dma_wait3A_54] : memref<2x10240x128xf32, #tpu.memory_space<hbm>> -> memref<1x128x128xf32, #tpu.memory_space<hbm>>
      %dma_wait3A_56 = tpu.memref_squeeze %dma_wait3A_55 : memref<1x128x128xf32, #tpu.memory_space<hbm>> -> memref<128x128xf32, #tpu.memory_space<hbm>>
      tpu.wait_dma2 semaphore(%run_scoped3A : memref<!tpu.dma_semaphore, #tpu.memory_space<semaphore_mem>>) src(%arg9 : memref<128x128xf32, #tpu.memory_space<vmem>>) dst(%dma_wait3A_56 : memref<128x128xf32, #tpu.memory_space<hbm>>)
      tpu.yield
    }) : () -> ()
    %mul3A_35 = arith.constant 640 : i32
    %mul3A_36 = arith.muli %arg1, %mul3A_35 : i32
    %add3A_37 = arith.constant 256 : i32
    %add3A_38 = arith.addi %mul3A_36, %add3A_37 : i32
    "tpu.region"() ({
      %run_scoped3A = tpu.sem_alloc : memref<!tpu.dma_semaphore, #tpu.memory_space<semaphore_mem>>
      %dma_start3A = arith.constant 0 : i32
      %dma_start3A_47 = tpu.memref_slice %arg10[%add3A_38, %dma_start3A] : memref<10240x128xf32, #tpu.memory_space<vmem_shared>> -> memref<128x128xf32, #tpu.memory_space<vmem_shared>>
      %dma_start3A_48 = arith.constant 0 : i32
      %dma_start3A_49 = tpu.memref_slice %arg10[%add3A_38, %dma_start3A_48] : memref<10240x128xf32, #tpu.memory_space<vmem_shared>> -> memref<128x128xf32, #tpu.memory_space<vmem_shared>>
      tpu.enqueue_dma source(%dma_start3A_49 : memref<128x128xf32, #tpu.memory_space<vmem_shared>>) target(%arg9 : memref<128x128xf32, #tpu.memory_space<vmem>>) target_semaphore(%run_scoped3A : memref<!tpu.dma_semaphore, #tpu.memory_space<semaphore_mem>>)
      %dma_wait3A = arith.constant 0 : i32
      %dma_wait3A_50 = tpu.memref_slice %arg10[%add3A_38, %dma_wait3A] : memref<10240x128xf32, #tpu.memory_space<vmem_shared>> -> memref<128x128xf32, #tpu.memory_space<vmem_shared>>
      %dma_wait3A_51 = arith.constant 0 : i32
      %dma_wait3A_52 = tpu.memref_slice %arg10[%add3A_38, %dma_wait3A_51] : memref<10240x128xf32, #tpu.memory_space<vmem_shared>> -> memref<128x128xf32, #tpu.memory_space<vmem_shared>>
      tpu.wait_dma2 semaphore(%run_scoped3A : memref<!tpu.dma_semaphore, #tpu.memory_space<semaphore_mem>>) src(%dma_wait3A_52 : memref<128x128xf32, #tpu.memory_space<vmem_shared>>) dst(%arg9 : memref<128x128xf32, #tpu.memory_space<vmem>>)
      tpu.yield
    }) : () -> ()
    "tpu.region"() ({
      %run_scoped3A = tpu.sem_alloc : memref<!tpu.dma_semaphore, #tpu.memory_space<semaphore_mem>>
      %dma_start3A = arith.constant 0 : i32
      %dma_start3A_47 = tpu.memref_slice %arg6[%arg0, %add3A_38, %dma_start3A] : memref<2x10240x128xf32, #tpu.memory_space<hbm>> -> memref<1x128x128xf32, #tpu.memory_space<hbm>>
      %dma_start3A_48 = tpu.memref_squeeze %dma_start3A_47 : memref<1x128x128xf32, #tpu.memory_space<hbm>> -> memref<128x128xf32, #tpu.memory_space<hbm>>
      %dma_start3A_49 = arith.constant 0 : i32
      %dma_start3A_50 = tpu.memref_slice %arg6[%arg0, %add3A_38, %dma_start3A_49] : memref<2x10240x128xf32, #tpu.memory_space<hbm>> -> memref<1x128x128xf32, #tpu.memory_space<hbm>>
      %dma_start3A_51 = tpu.memref_squeeze %dma_start3A_50 : memref<1x128x128xf32, #tpu.memory_space<hbm>> -> memref<128x128xf32, #tpu.memory_space<hbm>>
      tpu.enqueue_dma source(%arg9 : memref<128x128xf32, #tpu.memory_space<vmem>>) target(%dma_start3A_51 : memref<128x128xf32, #tpu.memory_space<hbm>>) target_semaphore(%run_scoped3A : memref<!tpu.dma_semaphore, #tpu.memory_space<semaphore_mem>>)
      %dma_wait3A = arith.constant 0 : i32
      %dma_wait3A_52 = tpu.memref_slice %arg6[%arg0, %add3A_38, %dma_wait3A] : memref<2x10240x128xf32, #tpu.memory_space<hbm>> -> memref<1x128x128xf32, #tpu.memory_space<hbm>>
      %dma_wait3A_53 = tpu.memref_squeeze %dma_wait3A_52 : memref<1x128x128xf32, #tpu.memory_space<hbm>> -> memref<128x128xf32, #tpu.memory_space<hbm>>
      %dma_wait3A_54 = arith.constant 0 : i32
      %dma_wait3A_55 = tpu.memref_slice %arg6[%arg0, %add3A_38, %dma_wait3A_54] : memref<2x10240x128xf32, #tpu.memory_space<hbm>> -> memref<1x128x128xf32, #tpu.memory_space<hbm>>
      %dma_wait3A_56 = tpu.memref_squeeze %dma_wait3A_55 : memref<1x128x128xf32, #tpu.memory_space<hbm>> -> memref<128x128xf32, #tpu.memory_space<hbm>>
      tpu.wait_dma2 semaphore(%run_scoped3A : memref<!tpu.dma_semaphore, #tpu.memory_space<semaphore_mem>>) src(%arg9 : memref<128x128xf32, #tpu.memory_space<vmem>>) dst(%dma_wait3A_56 : memref<128x128xf32, #tpu.memory_space<hbm>>)
      tpu.yield
    }) : () -> ()
    %mul3A_39 = arith.constant 640 : i32
    %mul3A_40 = arith.muli %arg1, %mul3A_39 : i32
    %add3A_41 = arith.constant 384 : i32
    %add3A_42 = arith.addi %mul3A_40, %add3A_41 : i32
    "tpu.region"() ({
      %run_scoped3A = tpu.sem_alloc : memref<!tpu.dma_semaphore, #tpu.memory_space<semaphore_mem>>
      %dma_start3A = arith.constant 0 : i32
      %dma_start3A_47 = tpu.memref_slice %arg10[%add3A_42, %dma_start3A] : memref<10240x128xf32, #tpu.memory_space<vmem_shared>> -> memref<128x128xf32, #tpu.memory_space<vmem_shared>>
      %dma_start3A_48 = arith.constant 0 : i32
      %dma_start3A_49 = tpu.memref_slice %arg10[%add3A_42, %dma_start3A_48] : memref<10240x128xf32, #tpu.memory_space<vmem_shared>> -> memref<128x128xf32, #tpu.memory_space<vmem_shared>>
      tpu.enqueue_dma source(%dma_start3A_49 : memref<128x128xf32, #tpu.memory_space<vmem_shared>>) target(%arg9 : memref<128x128xf32, #tpu.memory_space<vmem>>) target_semaphore(%run_scoped3A : memref<!tpu.dma_semaphore, #tpu.memory_space<semaphore_mem>>)
      %dma_wait3A = arith.constant 0 : i32
      %dma_wait3A_50 = tpu.memref_slice %arg10[%add3A_42, %dma_wait3A] : memref<10240x128xf32, #tpu.memory_space<vmem_shared>> -> memref<128x128xf32, #tpu.memory_space<vmem_shared>>
      %dma_wait3A_51 = arith.constant 0 : i32
      %dma_wait3A_52 = tpu.memref_slice %arg10[%add3A_42, %dma_wait3A_51] : memref<10240x128xf32, #tpu.memory_space<vmem_shared>> -> memref<128x128xf32, #tpu.memory_space<vmem_shared>>
      tpu.wait_dma2 semaphore(%run_scoped3A : memref<!tpu.dma_semaphore, #tpu.memory_space<semaphore_mem>>) src(%dma_wait3A_52 : memref<128x128xf32, #tpu.memory_space<vmem_shared>>) dst(%arg9 : memref<128x128xf32, #tpu.memory_space<vmem>>)
      tpu.yield
    }) : () -> ()
    "tpu.region"() ({
      %run_scoped3A = tpu.sem_alloc : memref<!tpu.dma_semaphore, #tpu.memory_space<semaphore_mem>>
      %dma_start3A = arith.constant 0 : i32
      %dma_start3A_47 = tpu.memref_slice %arg6[%arg0, %add3A_42, %dma_start3A] : memref<2x10240x128xf32, #tpu.memory_space<hbm>> -> memref<1x128x128xf32, #tpu.memory_space<hbm>>
      %dma_start3A_48 = tpu.memref_squeeze %dma_start3A_47 : memref<1x128x128xf32, #tpu.memory_space<hbm>> -> memref<128x128xf32, #tpu.memory_space<hbm>>
      %dma_start3A_49 = arith.constant 0 : i32
      %dma_start3A_50 = tpu.memref_slice %arg6[%arg0, %add3A_42, %dma_start3A_49] : memref<2x10240x128xf32, #tpu.memory_space<hbm>> -> memref<1x128x128xf32, #tpu.memory_space<hbm>>
      %dma_start3A_51 = tpu.memref_squeeze %dma_start3A_50 : memref<1x128x128xf32, #tpu.memory_space<hbm>> -> memref<128x128xf32, #tpu.memory_space<hbm>>
      tpu.enqueue_dma source(%arg9 : memref<128x128xf32, #tpu.memory_space<vmem>>) target(%dma_start3A_51 : memref<128x128xf32, #tpu.memory_space<hbm>>) target_semaphore(%run_scoped3A : memref<!tpu.dma_semaphore, #tpu.memory_space<semaphore_mem>>)
      %dma_wait3A = arith.constant 0 : i32
      %dma_wait3A_52 = tpu.memref_slice %arg6[%arg0, %add3A_42, %dma_wait3A] : memref<2x10240x128xf32, #tpu.memory_space<hbm>> -> memref<1x128x128xf32, #tpu.memory_space<hbm>>
      %dma_wait3A_53 = tpu.memref_squeeze %dma_wait3A_52 : memref<1x128x128xf32, #tpu.memory_space<hbm>> -> memref<128x128xf32, #tpu.memory_space<hbm>>
      %dma_wait3A_54 = arith.constant 0 : i32
      %dma_wait3A_55 = tpu.memref_slice %arg6[%arg0, %add3A_42, %dma_wait3A_54] : memref<2x10240x128xf32, #tpu.memory_space<hbm>> -> memref<1x128x128xf32, #tpu.memory_space<hbm>>
      %dma_wait3A_56 = tpu.memref_squeeze %dma_wait3A_55 : memref<1x128x128xf32, #tpu.memory_space<hbm>> -> memref<128x128xf32, #tpu.memory_space<hbm>>
      tpu.wait_dma2 semaphore(%run_scoped3A : memref<!tpu.dma_semaphore, #tpu.memory_space<semaphore_mem>>) src(%arg9 : memref<128x128xf32, #tpu.memory_space<vmem>>) dst(%dma_wait3A_56 : memref<128x128xf32, #tpu.memory_space<hbm>>)
      tpu.yield
    }) : () -> ()
    %mul3A_43 = arith.constant 640 : i32
    %mul3A_44 = arith.muli %arg1, %mul3A_43 : i32
    %add3A_45 = arith.constant 512 : i32
    %add3A_46 = arith.addi %mul3A_44, %add3A_45 : i32
    "tpu.region"() ({
      %run_scoped3A = tpu.sem_alloc : memref<!tpu.dma_semaphore, #tpu.memory_space<semaphore_mem>>
      %dma_start3A = arith.constant 0 : i32
      %dma_start3A_47 = tpu.memref_slice %arg10[%add3A_46, %dma_start3A] : memref<10240x128xf32, #tpu.memory_space<vmem_shared>> -> memref<128x128xf32, #tpu.memory_space<vmem_shared>>
      %dma_start3A_48 = arith.constant 0 : i32
      %dma_start3A_49 = tpu.memref_slice %arg10[%add3A_46, %dma_start3A_48] : memref<10240x128xf32, #tpu.memory_space<vmem_shared>> -> memref<128x128xf32, #tpu.memory_space<vmem_shared>>
      tpu.enqueue_dma source(%dma_start3A_49 : memref<128x128xf32, #tpu.memory_space<vmem_shared>>) target(%arg9 : memref<128x128xf32, #tpu.memory_space<vmem>>) target_semaphore(%run_scoped3A : memref<!tpu.dma_semaphore, #tpu.memory_space<semaphore_mem>>)
      %dma_wait3A = arith.constant 0 : i32
      %dma_wait3A_50 = tpu.memref_slice %arg10[%add3A_46, %dma_wait3A] : memref<10240x128xf32, #tpu.memory_space<vmem_shared>> -> memref<128x128xf32, #tpu.memory_space<vmem_shared>>
      %dma_wait3A_51 = arith.constant 0 : i32
      %dma_wait3A_52 = tpu.memref_slice %arg10[%add3A_46, %dma_wait3A_51] : memref<10240x128xf32, #tpu.memory_space<vmem_shared>> -> memref<128x128xf32, #tpu.memory_space<vmem_shared>>
      tpu.wait_dma2 semaphore(%run_scoped3A : memref<!tpu.dma_semaphore, #tpu.memory_space<semaphore_mem>>) src(%dma_wait3A_52 : memref<128x128xf32, #tpu.memory_space<vmem_shared>>) dst(%arg9 : memref<128x128xf32, #tpu.memory_space<vmem>>)
      tpu.yield
    }) : () -> ()
    "tpu.region"() ({
      %run_scoped3A = tpu.sem_alloc : memref<!tpu.dma_semaphore, #tpu.memory_space<semaphore_mem>>
      %dma_start3A = arith.constant 0 : i32
      %dma_start3A_47 = tpu.memref_slice %arg6[%arg0, %add3A_46, %dma_start3A] : memref<2x10240x128xf32, #tpu.memory_space<hbm>> -> memref<1x128x128xf32, #tpu.memory_space<hbm>>
      %dma_start3A_48 = tpu.memref_squeeze %dma_start3A_47 : memref<1x128x128xf32, #tpu.memory_space<hbm>> -> memref<128x128xf32, #tpu.memory_space<hbm>>
      %dma_start3A_49 = arith.constant 0 : i32
      %dma_start3A_50 = tpu.memref_slice %arg6[%arg0, %add3A_46, %dma_start3A_49] : memref<2x10240x128xf32, #tpu.memory_space<hbm>> -> memref<1x128x128xf32, #tpu.memory_space<hbm>>
      %dma_start3A_51 = tpu.memref_squeeze %dma_start3A_50 : memref<1x128x128xf32, #tpu.memory_space<hbm>> -> memref<128x128xf32, #tpu.memory_space<hbm>>
      tpu.enqueue_dma source(%arg9 : memref<128x128xf32, #tpu.memory_space<vmem>>) target(%dma_start3A_51 : memref<128x128xf32, #tpu.memory_space<hbm>>) target_semaphore(%run_scoped3A : memref<!tpu.dma_semaphore, #tpu.memory_space<semaphore_mem>>)
      %dma_wait3A = arith.constant 0 : i32
      %dma_wait3A_52 = tpu.memref_slice %arg6[%arg0, %add3A_46, %dma_wait3A] : memref<2x10240x128xf32, #tpu.memory_space<hbm>> -> memref<1x128x128xf32, #tpu.memory_space<hbm>>
      %dma_wait3A_53 = tpu.memref_squeeze %dma_wait3A_52 : memref<1x128x128xf32, #tpu.memory_space<hbm>> -> memref<128x128xf32, #tpu.memory_space<hbm>>
      %dma_wait3A_54 = arith.constant 0 : i32
      %dma_wait3A_55 = tpu.memref_slice %arg6[%arg0, %add3A_46, %dma_wait3A_54] : memref<2x10240x128xf32, #tpu.memory_space<hbm>> -> memref<1x128x128xf32, #tpu.memory_space<hbm>>
      %dma_wait3A_56 = tpu.memref_squeeze %dma_wait3A_55 : memref<1x128x128xf32, #tpu.memory_space<hbm>> -> memref<128x128xf32, #tpu.memory_space<hbm>>
      tpu.wait_dma2 semaphore(%run_scoped3A : memref<!tpu.dma_semaphore, #tpu.memory_space<semaphore_mem>>) src(%arg9 : memref<128x128xf32, #tpu.memory_space<vmem>>) dst(%dma_wait3A_56 : memref<128x128xf32, #tpu.memory_space<hbm>>)
      tpu.yield
    }) : () -> ()
    return
  }
}

module attributes {stable_mosaic.version = 14 : i64} {
  func.func @_tc_dense2(%arg0: i32, %arg1: memref<2x256x128xf32, #tpu.memory_space<vmem>>, %arg2: memref<2x256x128xf32, #tpu.memory_space<vmem>>, %arg3: memref<256x128xf32, #tpu.memory_space<vmem>>, %arg4: memref<128x128xf32, #tpu.memory_space<vmem>>, %arg5: memref<128x128xf32, #tpu.memory_space<vmem>>, %arg6: memref<1x128xf32, #tpu.memory_space<vmem>>, %arg7: memref<256x128xf32, #tpu.memory_space<vmem>>) attributes {dimension_semantics = [#tpu.dimension_semantics<arbitrary>], iteration_bounds = array<i64: 40>, scalar_prefetch = 0 : i64, scratch_operands = 0 : i64, tpu.core_type = #tpu.core_type<tc>, window_params = [{transform_indices = @transform_0, window_bounds = array<i64: 2, 256, 128>}, {transform_indices = @transform_1, window_bounds = array<i64: 2, 256, 128>}, {transform_indices = @transform_2, window_bounds = array<i64: 256, 128>}, {pipeline_mode = #tpu.pipeline_mode<synchronous>, transform_indices = @transform_3, window_bounds = array<i64: 128, 128>}, {pipeline_mode = #tpu.pipeline_mode<synchronous>, transform_indices = @transform_4, window_bounds = array<i64: 128, 128>}, {pipeline_mode = #tpu.pipeline_mode<synchronous>, transform_indices = @transform_5, window_bounds = array<i64: 1, 128>}, {transform_indices = @transform_6, window_bounds = array<i64: 256, 128>}]} {
    %get3A = arith.constant 0 : index
    %get3A_0 = arith.constant 0 : index
    %get3A_1 = arith.constant 0 : index
    %get3A_2 = vector.load %arg2[%get3A, %get3A_0, %get3A_1] : memref<2x256x128xf32, #tpu.memory_space<vmem>>, vector<1x256x1xf32>
    %get3A_3 = vector.shape_cast %get3A_2 : vector<1x256x1xf32> to vector<256x1xf32>
    %get3A_4 = arith.constant 1 : index
    %get3A_5 = arith.constant 0 : index
    %get3A_6 = arith.constant 0 : index
    %get3A_7 = vector.load %arg2[%get3A_4, %get3A_5, %get3A_6] : memref<2x256x128xf32, #tpu.memory_space<vmem>>, vector<1x256x1xf32>
    %get3A_8 = vector.shape_cast %get3A_7 : vector<1x256x1xf32> to vector<256x1xf32>
    %add3A = arith.addf %get3A_3, %get3A_8 : vector<256x1xf32>
    %max3A = arith.constant 1.000000e+00 : f32
    %max3A_9 = vector.broadcast %max3A : f32 to vector<256x1xf32>
    %max3A_10 = arith.maximumf %add3A, %max3A_9 : vector<256x1xf32>
    %get3A_11 = arith.constant 0 : index
    %get3A_12 = arith.constant 0 : index
    %get3A_13 = arith.constant 0 : index
    %get3A_14 = vector.load %arg1[%get3A_11, %get3A_12, %get3A_13] : memref<2x256x128xf32, #tpu.memory_space<vmem>>, vector<1x256x128xf32>
    %get3A_15 = vector.shape_cast %get3A_14 : vector<1x256x128xf32> to vector<256x128xf32>
    %get3A_16 = arith.constant 1 : index
    %get3A_17 = arith.constant 0 : index
    %get3A_18 = arith.constant 0 : index
    %get3A_19 = vector.load %arg1[%get3A_16, %get3A_17, %get3A_18] : memref<2x256x128xf32, #tpu.memory_space<vmem>>, vector<1x256x128xf32>
    %get3A_20 = vector.shape_cast %get3A_19 : vector<1x256x128xf32> to vector<256x128xf32>
    %add3A_21 = arith.addf %get3A_15, %get3A_20 : vector<256x128xf32>
    %div3A = vector.broadcast %max3A_10 : vector<256x1xf32> to vector<256x128xf32>
    %div3A_22 = arith.divf %add3A_21, %div3A : vector<256x128xf32>
    %get3A_23 = arith.constant 0 : index
    %get3A_24 = arith.constant 0 : index
    %get3A_25 = vector.load %arg4[%get3A_23, %get3A_24] : memref<128x128xf32, #tpu.memory_space<vmem>>, vector<128x128xf32>
    %dot_general3A = arith.constant dense<0.000000e+00> : vector<256x128xf32>
    %dot_general3A_26 = tpu.matmul %div3A_22, %get3A_25, %dot_general3A {dimension_numbers = #tpu.dot_dimension_numbers<[1], [0], [0], [1], [0, 0, 1, 1], [], []>, transpose_lhs_hint = false} : vector<256x128xf32>, vector<128x128xf32>, vector<256x128xf32> -> vector<256x128xf32>
    %get3A_27 = arith.constant 0 : index
    %get3A_28 = arith.constant 0 : index
    %get3A_29 = vector.load %arg3[%get3A_27, %get3A_28] : memref<256x128xf32, #tpu.memory_space<vmem>>, vector<256x128xf32>
    %get3A_30 = arith.constant 0 : index
    %get3A_31 = arith.constant 0 : index
    %get3A_32 = vector.load %arg5[%get3A_30, %get3A_31] : memref<128x128xf32, #tpu.memory_space<vmem>>, vector<128x128xf32>
    %dot_general3A_33 = arith.constant dense<0.000000e+00> : vector<256x128xf32>
    %dot_general3A_34 = tpu.matmul %get3A_29, %get3A_32, %dot_general3A_33 {dimension_numbers = #tpu.dot_dimension_numbers<[1], [0], [0], [1], [0, 0, 1, 1], [], []>, transpose_lhs_hint = false} : vector<256x128xf32>, vector<128x128xf32>, vector<256x128xf32> -> vector<256x128xf32>
    %add3A_35 = arith.addf %dot_general3A_26, %dot_general3A_34 : vector<256x128xf32>
    %get3A_36 = arith.constant 0 : index
    %get3A_37 = arith.constant 0 : index
    %get3A_38 = vector.load %arg6[%get3A_36, %get3A_37] : memref<1x128xf32, #tpu.memory_space<vmem>>, vector<1x128xf32>
    %add3A_39 = vector.broadcast %get3A_38 : vector<1x128xf32> to vector<256x128xf32>
    %add3A_40 = arith.addf %add3A_35, %add3A_39 : vector<256x128xf32>
    %swap3A = arith.constant 0 : index
    %swap3A_41 = arith.constant 0 : index
    %swap3A_42 = vector.load %arg7[%swap3A, %swap3A_41] : memref<256x128xf32, #tpu.memory_space<vmem>>, vector<256x128xf32>
    tpu.vector_store %arg7[%swap3A, %swap3A_41], %add3A_40 {strides = array<i32>} : memref<256x128xf32, #tpu.memory_space<vmem>>, vector<256x128xf32>,
    return
  }
  func.func @transform_0(%arg0: i32) -> (i32, i32, i32) {
    %c0_i32 = arith.constant 0 : i32
    %c0_i32_0 = arith.constant 0 : i32
    %c0_i32_1 = arith.constant 0 : i32
    return %c0_i32, %arg0, %c0_i32_0 : i32, i32, i32
  }
  func.func @transform_1(%arg0: i32) -> (i32, i32, i32) {
    %c0_i32 = arith.constant 0 : i32
    %c0_i32_0 = arith.constant 0 : i32
    %c0_i32_1 = arith.constant 0 : i32
    return %c0_i32, %arg0, %c0_i32_0 : i32, i32, i32
  }
  func.func @transform_2(%arg0: i32) -> (i32, i32) {
    %c0_i32 = arith.constant 0 : i32
    %c0_i32_0 = arith.constant 0 : i32
    return %arg0, %c0_i32 : i32, i32
  }
  func.func @transform_3(%arg0: i32) -> (i32, i32) {
    %c0_i32 = arith.constant 0 : i32
    %c0_i32_0 = arith.constant 0 : i32
    %c0_i32_1 = arith.constant 0 : i32
    return %c0_i32, %c0_i32_0 : i32, i32
  }
  func.func @transform_4(%arg0: i32) -> (i32, i32) {
    %c0_i32 = arith.constant 0 : i32
    %c0_i32_0 = arith.constant 0 : i32
    %c0_i32_1 = arith.constant 0 : i32
    return %c0_i32, %c0_i32_0 : i32, i32
  }
  func.func @transform_5(%arg0: i32) -> (i32, i32) {
    %c0_i32 = arith.constant 0 : i32
    %c0_i32_0 = arith.constant 0 : i32
    %c0_i32_1 = arith.constant 0 : i32
    return %c0_i32, %c0_i32_0 : i32, i32
  }
  func.func @transform_6(%arg0: i32) -> (i32, i32) {
    %c0_i32 = arith.constant 0 : i32
    %c0_i32_0 = arith.constant 0 : i32
    return %arg0, %c0_i32 : i32, i32
  }
}

module attributes {stable_mosaic.version = 14 : i64} {
  func.func @_tc_dense1(%arg0: i32, %arg1: memref<2x256x128xf32, #tpu.memory_space<vmem>>, %arg2: memref<2x256x128xf32, #tpu.memory_space<vmem>>, %arg3: memref<256x128xf32, #tpu.memory_space<vmem>>, %arg4: memref<128x128xf32, #tpu.memory_space<vmem>>, %arg5: memref<128x128xf32, #tpu.memory_space<vmem>>, %arg6: memref<1x128xf32, #tpu.memory_space<vmem>>, %arg7: memref<1x128xf32, #tpu.memory_space<vmem>>, %arg8: memref<1x128xf32, #tpu.memory_space<vmem>>, %arg9: memref<256x128xf32, #tpu.memory_space<vmem>>) attributes {dimension_semantics = [#tpu.dimension_semantics<arbitrary>], iteration_bounds = array<i64: 40>, scalar_prefetch = 0 : i64, scratch_operands = 0 : i64, tpu.core_type = #tpu.core_type<tc>, window_params = [{transform_indices = @transform_0, window_bounds = array<i64: 2, 256, 128>}, {transform_indices = @transform_1, window_bounds = array<i64: 2, 256, 128>}, {transform_indices = @transform_2, window_bounds = array<i64: 256, 128>}, {pipeline_mode = #tpu.pipeline_mode<synchronous>, transform_indices = @transform_3, window_bounds = array<i64: 128, 128>}, {pipeline_mode = #tpu.pipeline_mode<synchronous>, transform_indices = @transform_4, window_bounds = array<i64: 128, 128>}, {pipeline_mode = #tpu.pipeline_mode<synchronous>, transform_indices = @transform_5, window_bounds = array<i64: 1, 128>}, {pipeline_mode = #tpu.pipeline_mode<synchronous>, transform_indices = @transform_6, window_bounds = array<i64: 1, 128>}, {pipeline_mode = #tpu.pipeline_mode<synchronous>, transform_indices = @transform_7, window_bounds = array<i64: 1, 128>}, {transform_indices = @transform_8, window_bounds = array<i64: 256, 128>}]} {
    %get3A = arith.constant 0 : index
    %get3A_0 = arith.constant 0 : index
    %get3A_1 = arith.constant 0 : index
    %get3A_2 = vector.load %arg2[%get3A, %get3A_0, %get3A_1] : memref<2x256x128xf32, #tpu.memory_space<vmem>>, vector<1x256x1xf32>
    %get3A_3 = vector.shape_cast %get3A_2 : vector<1x256x1xf32> to vector<256x1xf32>
    %get3A_4 = arith.constant 1 : index
    %get3A_5 = arith.constant 0 : index
    %get3A_6 = arith.constant 0 : index
    %get3A_7 = vector.load %arg2[%get3A_4, %get3A_5, %get3A_6] : memref<2x256x128xf32, #tpu.memory_space<vmem>>, vector<1x256x1xf32>
    %get3A_8 = vector.shape_cast %get3A_7 : vector<1x256x1xf32> to vector<256x1xf32>
    %add3A = arith.addf %get3A_3, %get3A_8 : vector<256x1xf32>
    %max3A = arith.constant 1.000000e+00 : f32
    %max3A_9 = vector.broadcast %max3A : f32 to vector<256x1xf32>
    %max3A_10 = arith.maximumf %add3A, %max3A_9 : vector<256x1xf32>
    %get3A_11 = arith.constant 0 : index
    %get3A_12 = arith.constant 0 : index
    %get3A_13 = arith.constant 0 : index
    %get3A_14 = vector.load %arg1[%get3A_11, %get3A_12, %get3A_13] : memref<2x256x128xf32, #tpu.memory_space<vmem>>, vector<1x256x128xf32>
    %get3A_15 = vector.shape_cast %get3A_14 : vector<1x256x128xf32> to vector<256x128xf32>
    %get3A_16 = arith.constant 1 : index
    %get3A_17 = arith.constant 0 : index
    %get3A_18 = arith.constant 0 : index
    %get3A_19 = vector.load %arg1[%get3A_16, %get3A_17, %get3A_18] : memref<2x256x128xf32, #tpu.memory_space<vmem>>, vector<1x256x128xf32>
    %get3A_20 = vector.shape_cast %get3A_19 : vector<1x256x128xf32> to vector<256x128xf32>
    %add3A_21 = arith.addf %get3A_15, %get3A_20 : vector<256x128xf32>
    %div3A = vector.broadcast %max3A_10 : vector<256x1xf32> to vector<256x128xf32>
    %div3A_22 = arith.divf %add3A_21, %div3A : vector<256x128xf32>
    %get3A_23 = arith.constant 0 : index
    %get3A_24 = arith.constant 0 : index
    %get3A_25 = vector.load %arg4[%get3A_23, %get3A_24] : memref<128x128xf32, #tpu.memory_space<vmem>>, vector<128x128xf32>
    %dot_general3A = arith.constant dense<0.000000e+00> : vector<256x128xf32>
    %dot_general3A_26 = tpu.matmul %div3A_22, %get3A_25, %dot_general3A {dimension_numbers = #tpu.dot_dimension_numbers<[1], [0], [0], [1], [0, 0, 1, 1], [], []>, transpose_lhs_hint = false} : vector<256x128xf32>, vector<128x128xf32>, vector<256x128xf32> -> vector<256x128xf32>
    %get3A_27 = arith.constant 0 : index
    %get3A_28 = arith.constant 0 : index
    %get3A_29 = vector.load %arg3[%get3A_27, %get3A_28] : memref<256x128xf32, #tpu.memory_space<vmem>>, vector<256x128xf32>
    %get3A_30 = arith.constant 0 : index
    %get3A_31 = arith.constant 0 : index
    %get3A_32 = vector.load %arg5[%get3A_30, %get3A_31] : memref<128x128xf32, #tpu.memory_space<vmem>>, vector<128x128xf32>
    %dot_general3A_33 = arith.constant dense<0.000000e+00> : vector<256x128xf32>
    %dot_general3A_34 = tpu.matmul %get3A_29, %get3A_32, %dot_general3A_33 {dimension_numbers = #tpu.dot_dimension_numbers<[1], [0], [0], [1], [0, 0, 1, 1], [], []>, transpose_lhs_hint = false} : vector<256x128xf32>, vector<128x128xf32>, vector<256x128xf32> -> vector<256x128xf32>
    %add3A_35 = arith.addf %dot_general3A_26, %dot_general3A_34 : vector<256x128xf32>
    %get3A_36 = arith.constant 0 : index
    %get3A_37 = arith.constant 0 : index
    %get3A_38 = vector.load %arg6[%get3A_36, %get3A_37] : memref<1x128xf32, #tpu.memory_space<vmem>>, vector<1x128xf32>
    %add3A_39 = vector.broadcast %get3A_38 : vector<1x128xf32> to vector<256x128xf32>
    %add3A_40 = arith.addf %add3A_35, %add3A_39 : vector<256x128xf32>
    %get3A_41 = arith.constant 0 : index
    %get3A_42 = arith.constant 0 : index
    %get3A_43 = vector.load %arg7[%get3A_41, %get3A_42] : memref<1x128xf32, #tpu.memory_space<vmem>>, vector<1x128xf32>
    %mul3A = arith.constant 0.999994993 : f32
    %mul3A_44 = vector.broadcast %mul3A : f32 to vector<1x128xf32>
    %mul3A_45 = arith.mulf %get3A_43, %mul3A_44 : vector<1x128xf32>
    %mul3A_46 = vector.broadcast %mul3A_45 : vector<1x128xf32> to vector<256x128xf32>
    %mul3A_47 = arith.mulf %add3A_40, %mul3A_46 : vector<256x128xf32>
    %get3A_48 = arith.constant 0 : index
    %get3A_49 = arith.constant 0 : index
    %get3A_50 = vector.load %arg8[%get3A_48, %get3A_49] : memref<1x128xf32, #tpu.memory_space<vmem>>, vector<1x128xf32>
    %add3A_51 = vector.broadcast %get3A_50 : vector<1x128xf32> to vector<256x128xf32>
    %add3A_52 = arith.addf %mul3A_47, %add3A_51 : vector<256x128xf32>
    %max3A_53 = arith.constant 0.000000e+00 : f32
    %max3A_54 = vector.broadcast %max3A_53 : f32 to vector<256x128xf32>
    %max3A_55 = arith.maximumf %add3A_52, %max3A_54 : vector<256x128xf32>
    %swap3A = arith.constant 0 : index
    %swap3A_56 = arith.constant 0 : index
    %swap3A_57 = vector.load %arg9[%swap3A, %swap3A_56] : memref<256x128xf32, #tpu.memory_space<vmem>>, vector<256x128xf32>
    tpu.vector_store %arg9[%swap3A, %swap3A_56], %max3A_55 {strides = array<i32>} : memref<256x128xf32, #tpu.memory_space<vmem>>, vector<256x128xf32>,
    return
  }
  func.func @transform_0(%arg0: i32) -> (i32, i32, i32) {
    %c0_i32 = arith.constant 0 : i32
    %c0_i32_0 = arith.constant 0 : i32
    %c0_i32_1 = arith.constant 0 : i32
    return %c0_i32, %arg0, %c0_i32_0 : i32, i32, i32
  }
  func.func @transform_1(%arg0: i32) -> (i32, i32, i32) {
    %c0_i32 = arith.constant 0 : i32
    %c0_i32_0 = arith.constant 0 : i32
    %c0_i32_1 = arith.constant 0 : i32
    return %c0_i32, %arg0, %c0_i32_0 : i32, i32, i32
  }
  func.func @transform_2(%arg0: i32) -> (i32, i32) {
    %c0_i32 = arith.constant 0 : i32
    %c0_i32_0 = arith.constant 0 : i32
    return %arg0, %c0_i32 : i32, i32
  }
  func.func @transform_3(%arg0: i32) -> (i32, i32) {
    %c0_i32 = arith.constant 0 : i32
    %c0_i32_0 = arith.constant 0 : i32
    %c0_i32_1 = arith.constant 0 : i32
    return %c0_i32, %c0_i32_0 : i32, i32
  }
  func.func @transform_4(%arg0: i32) -> (i32, i32) {
    %c0_i32 = arith.constant 0 : i32
    %c0_i32_0 = arith.constant 0 : i32
    %c0_i32_1 = arith.constant 0 : i32
    return %c0_i32, %c0_i32_0 : i32, i32
  }
  func.func @transform_5(%arg0: i32) -> (i32, i32) {
    %c0_i32 = arith.constant 0 : i32
    %c0_i32_0 = arith.constant 0 : i32
    %c0_i32_1 = arith.constant 0 : i32
    return %c0_i32, %c0_i32_0 : i32, i32
  }
  func.func @transform_6(%arg0: i32) -> (i32, i32) {
    %c0_i32 = arith.constant 0 : i32
    %c0_i32_0 = arith.constant 0 : i32
    %c0_i32_1 = arith.constant 0 : i32
    return %c0_i32, %c0_i32_0 : i32, i32
  }
  func.func @transform_7(%arg0: i32) -> (i32, i32) {
    %c0_i32 = arith.constant 0 : i32
    %c0_i32_0 = arith.constant 0 : i32
    %c0_i32_1 = arith.constant 0 : i32
    return %c0_i32, %c0_i32_0 : i32, i32
  }
  func.func @transform_8(%arg0: i32) -> (i32, i32) {
    %c0_i32 = arith.constant 0 : i32
    %c0_i32_0 = arith.constant 0 : i32
    return %arg0, %c0_i32 : i32, i32
  }
}

</mosaic_0001>

<sc_bundles>
// kernel: kernel.6.cloned.1.call-start
scs
__scs_entry_jumppad:
0x0: {  	(pc) =	sbr.rel $0x88, $3  }
0x1: {  	(tag) =	ssettag $0x0;
	lr =	simm.s32 $0x1  }
0x2: {  	[smem:$0x3F97] =	sst lr;
	_ =	strace $0xD0000000  }
0x3: {  	_ = 	snop  }
0x4: {  	_ = 	snop  }
0x5: {  	_ = 	snop  }
0x6: {  	_ = 	snop  }
0x7: {  	_ = 	snop  }
__scs_overlays_trampoline_lowered:
0x8: {  	[smem:$0x3FA6] =	sst s0  }
0x9: {  	[smem:$0x3FA7] =	sst s1  }
0xa: {  	[smem:$0x3FA8] =	sst s2  }
0xb: {  	[smem:$0x3FA9] =	sst s3  }
0xc: {  	[smem:$0x3FAA] =	sst s4  }
0xd: {  	[smem:$0x3FAB] =	sst s5  }
0xe: {  	[smem:$0x3FAC] =	sst s6  }
0xf: {  	[smem:$0x3FAD] =	sst s7  }
0x10: {  	[smem:$0x3FAE] =	sst s8  }
0x11: {  	[smem:$0x3FAF] =	sst s9;
	s0 =	simm.s32 @!p0 $0x0  }
0x12: {  	s1 =	sld [smem:$0x3F95];
	s0 =	simm.s32 @p0 $0x1  }
0x13: {  	[smem:$0x3FB0] =	sst s0;
	s0 =	simm.s32 @!p1 $0x0  }
0x14: {  	s2 =	sld [smem:$0x3F94];
	s0 =	simm.s32 @p1 $0x1  }
0x15: {  	[smem:$0x3FB1] =	sst s0;
	s0 =	simm.s32 @!p2 $0x0  }
0x16: {  	s3 =	sld [smem:$0x3FDB];
	s0 =	simm.s32 @p2 $0x1  }
0x17: {  	s4 =	simm.s32 $0x1BF5;
	[smem:$0x3FB3] =	sst s0  }
0x18: {  	s0 =	sld [smem:$0x3F96];
	_ =	swait.ge [sflag:s4], $0x0  }
0x19: {  	s7 =	sld [smem:$0x3F97]  }
0x1a: {  	s8 =	sadd.s32 $0xFFFFE003, lr  }
0x1b: {  	s9 =	sadd.s32 $0xFFFFFEF7, lr;
	s5 =	simm.s32 $0xFFFFFFFF;
	p2 =	slt.u32 s8, $0xFFFFF086  }
0x1c: {  	p1 =	slt.u32 s9, $0xF7A;
	s5 =	simm.s32 @!p2 $0x0  }
0x1d: {  	s5 =	simm.s32 @p1 $0x1;
	p0 =	seq.s32 s7, s2  }
0x1e: {  	s7 =	smul.u32 @!p0 $0xF7A, s2;
	p2 =	seq.s32 @!p0 s5, $0x0  }
0x1f: {  	s9 =	smul.u32 $0xF7A, s1;
	s8 =	simm.s32 @!p0 $0x1BF5;
	p2 =	por !p2, p0  }
0x20: {  	[sflag:s8] =	ssyncset.s32 @!p0 $0xFFFFF086;
	s6 =	sadd.s32 @!p0 s3, s7;
	s7 =	simm.s32 @!p0 $0x108  }
0x21: {  	s3 =	sadd.s32 s3, s9;
	s6 =	sadd.s32 @!p0 $0x88, s6;
	s7 =	simm.s32 @p2 $0x1082  }
0x22: {  	[simem:s7], [sflag:s8] =	dma.local @!p0 [hbm:s6], $0xF7A  }
0x23: {  	s9 =	sor.u32 $0xD0000000, s2;
	s6 =	simm.s32 $0x108;
	_ =	swait.ge @!p0 [sflag:s8], $0x0  }
0x24: {  	s3 =	sadd.s32 $0x88, s3;
	s6 =	simm.s32 @!p1 $0x1082;
	[sflag:s4] =	ssyncset.s32 $0xFFFFF086  }
0x25: {  	[simem:s6], [sflag:s4] =	dma.local [hbm:s3], $0xF7A  }
0x26: {  	[smem:$0x3F97] =	sst s1;
	(tag) =	ssettag s2;
	_ =	strace s9  }
0x27: {  	s1 =	sld [smem:$0x3FA7]  }
0x28: {  	s2 =	sld [smem:$0x3FA8]  }
0x29: {  	s4 =	sld [smem:$0x3FAA]  }
0x2a: {  	p0 =	seq.s32 s5, $0x0;
	s5 =	sld [smem:$0x3FAB]  }
0x2b: {  	s6 =	sld [smem:$0x3FAC]  }
0x2c: {  	s7 =	sld [smem:$0x3FAD]  }
0x2d: {  	s3 =	simm.s32 $0x108;
	s8 =	sld [smem:$0x3FAE]  }
0x2e: {  	s3 =	simm.s32 @!p0 $0x1082;
	s9 =	sld [smem:$0x3FAF]  }
0x2f: {  	lr =	sadd.s32 s0, s3;
	s0 =	sld [smem:$0x3FA6]  }
0x30: {  	s3 =	sld [smem:$0x3FA9]  }
0x31: {  	[smem:$0x3FB2] =	sst s10  }
0x32: {  	s10 =	sld [smem:$0x3FB0];
	_ =	sdelay $0x3  }
0x33: {  	p0 =	seq.s32 s10, $0x1;
	s10 =	sld [smem:$0x3FB2];
	_ =	sdelay $0x3  }
0x34: {  	[smem:$0x3FB2] =	sst s10  }
0x35: {  	s10 =	sld [smem:$0x3FB1];
	_ =	sdelay $0x3  }
0x36: {  	p1 =	seq.s32 s10, $0x1;
	s10 =	sld [smem:$0x3FB2];
	_ =	sdelay $0x3  }
0x37: {  	[smem:$0x3FB2] =	sst s10  }
0x38: {  	s10 =	sld [smem:$0x3FB3]  }
0x39: {  	_ = 	snop;
	(pc) =	sbr.ind lr, $3  }
0x3a: {  	_ = 	snop  }
0x3b: {  	_ = 	snop  }
0x3c: {  	p2 =	seq.s32 s10, $0x1;
	s10 =	sld [smem:$0x3FB2]  }
0x3d: {  	_ =	shalt  }
0x3e: {  	_ =	shalt  }
0x3f: {  	_ =	shalt  }
0x40: {  	_ =	shalt  }
0x41: {  	_ =	shalt  }
0x42: {  	_ =	shalt  }
0x43: {  	_ =	shalt  }
0x44: {  	_ =	shalt  }
0x45: {  	_ =	shalt  }
0x46: {  	_ =	shalt  }
0x47: {  	_ =	shalt  }
0x48: {  	_ =	shalt  }
0x49: {  	_ =	shalt  }
0x4a: {  	_ =	shalt  }
0x4b: {  	_ =	shalt  }
0x4c: {  	_ =	shalt  }
0x4d: {  	_ =	shalt  }
0x4e: {  	_ =	shalt  }
0x4f: {  	_ =	shalt  }
0x50: {  	_ =	shalt  }
0x51: {  	_ =	shalt  }
0x52: {  	_ =	shalt  }
0x53: {  	_ =	shalt  }
0x54: {  	_ =	shalt  }
0x55: {  	_ =	shalt  }
0x56: {  	_ =	shalt  }
0x57: {  	_ =	shalt  }
0x58: {  	_ =	shalt  }
0x59: {  	_ =	shalt  }
0x5a: {  	_ =	shalt  }
0x5b: {  	_ =	shalt  }
0x5c: {  	_ =	shalt  }
0x5d: {  	_ =	shalt  }
0x5e: {  	_ =	shalt  }
0x5f: {  	_ =	shalt  }
0x60: {  	_ =	shalt  }
0x61: {  	_ =	shalt  }
0x62: {  	_ =	shalt  }
0x63: {  	_ =	shalt  }
0x64: {  	_ =	shalt  }
0x65: {  	_ =	shalt  }
0x66: {  	_ =	shalt  }
0x67: {  	_ =	shalt  }
0x68: {  	_ =	shalt  }
0x69: {  	_ =	shalt  }
0x6a: {  	_ =	shalt  }
0x6b: {  	_ =	shalt  }
0x6c: {  	_ =	shalt  }
0x6d: {  	_ =	shalt  }
0x6e: {  	_ =	shalt  }
0x6f: {  	_ =	shalt  }
0x70: {  	_ =	shalt  }
0x71: {  	_ =	shalt  }
0x72: {  	_ =	shalt  }
0x73: {  	_ =	shalt  }
0x74: {  	_ =	shalt  }
0x75: {  	_ =	shalt  }
0x76: {  	_ =	shalt  }
0x77: {  	_ =	shalt  }
0x78: {  	_ =	shalt  }
0x79: {  	_ =	shalt  }
0x7a: {  	_ =	shalt  }
0x7b: {  	_ =	shalt  }
0x7c: {  	_ =	shalt  }
0x7d: {  	_ =	shalt  }
0x7e: {  	_ =	shalt  }
0x7f: {  	_ =	shalt  }
0x80: {  	_ =	shalt  }
0x81: {  	_ =	shalt  }
0x82: {  	_ =	shalt  }
0x83: {  	_ =	shalt  }
0x84: {  	_ =	shalt  }
0x85: {  	_ =	shalt  }
0x86: {  	_ =	shalt  }
0x87: {  	_ =	shalt  }
.Lfunc_end0:
.L_simem_size_0:
called_computation_lowered:
.L_overlay_start_0:
0x88: {  	s2 =	sld [smem:$0x3FD9]  }
0x89: {  	s3 =	sld [smem:$0x3FFE];
	_ =	sdelay $0x1  }
0x8a: {  	s1 =	srdreg.scid  }
0x8b: {  	s0 =	sand.u32 $0x1, s1  }
0x8c: {  	s17 =	sshll.u32 s0, $0xA;
	s2 =	sadd.s32 s3, s2  }
0x8d: {  	s2 =	sadd.s32 s2, s17  }
0x8e: {  	[smem:$0x3FBE] =	sst s2  }
0x8f: {  	_ = 	snop  }
0x90: {  	s2 =	sld [smem:$0x3FD0];
	(tm) =	ssettm $0x1  }
0x91: {  	s18 =	sld [smem:$0x3FFB];
	_ =	sdelay $0x3  }
0x92: {  	_ =	strace s18  }
0x93: {  	s3 =	sld [smem:$0x3FFC];
	_ =	sdelay $0x3  }
0x94: {  	_ =	strace s3  }
0x95: {  	s3 =	sld [smem:$0x3FFD];
	_ =	sdelay $0x3  }
0x96: {  	_ =	strace s3  }
0x97: {  	_ =	strace $0x8FFFFFFF  }
0x98: {  	s19 =	sld [smem:$0x3FDB];
	_ =	sdelay $0x1  }
0x99: {  	s4 =	simm.s32 $_scs_section_size  }
0x9a: {  	s5 =	simm.s32 $_size__tile_overlayer_lowered;
	s6 =	simm.s32 $_tile_overlayer_lowered  }
0x9b: {  	s22 =	simm.s32 $0x1BFF;
	s21 =	sshll.u32 s6, $0x1;
	s3 =	sadd.s32 s4, s19  }
0x9c: {  	s7 =	simm.s32 $0x0;
	s20 =	sshll.u32 s5, $0x1;
	s5 =	sadd.s32 s21, s3  }
0x9d: {  	[timem:s7], [sflag:s22] =	dma.local [hbm:s5], s20  }
0x9e: {  	_ =	swait.ge [sflag:s22], s20  }
0x9f: {  	s4 =	ssub.s32 $0x0, s20;
	[sflag:s22] =	ssyncset.done $0x0  }
0xa0: {  	[sflag:s22] =	ssyncadd.s32 s4;
	_ =	sdelay $0x1  }
0xa1: {  	s23 =	simm.s32 $0x1B8B  }
0xa2: {  	_ =	swait.ge [sflag:s23], $0x1  }
0xa3: {  	[sflag:s23] =	ssyncset.done $0x0  }
0xa4: {  	s25 =	simm.s32 $0x1B8E;
	s24 =	sld [smem:$0x3FFE];
	[sflag:s23] =	ssyncadd.s32 $0xFFFFFFFF  }
0xa5: {  	s26 =	simm.s32 $execute0_lowered;
	[smem:$0x3FD2] =	sst s25  }
0xa6: {  	s5 =	sshll.u32 s26, $0x1;
	_ =	strace $0x80000046;
	[dreg:$0x1] =	wrdreg $0xFFFFFFFF  }
0xa7: {  	s28 =	simm.s32 $_size_execute0_lowered;
	s3 =	sadd.s32 s3, s5;
	[dreg:$0x0] =	wrdreg $0x0  }
0xa8: {  	s5 =	sshll.u32 s28, $0x1;
	[dreg:$0x2] =	wrdreg s3  }
0xa9: {  	[dreg:$0x3] =	wrdreg s5  }
0xaa: {  	[dreg:$0x4] =	wrdreg $0xC0  }
0xab: {  	_ =	task [dreg:s7], $0x5FFFF  }
0xac: {  	[dreg:$0x1] =	wrdreg $0xFFFFFFFF  }
0xad: {  	[dreg:$0x0] =	wrdreg $0x60  }
0xae: {  	[dreg:$0x2] =	wrdreg s24  }
0xaf: {  	[dreg:$0x3] =	wrdreg s2  }
0xb0: {  	[dreg:$0x4] =	wrdreg $0x41000  }
0xb1: {  	[dreg:$0x5] =	wrdreg $0x9  }
0xb2: {  	_ =	task.clear_ibuf [dreg:s7], $0x6FFFF;
	_ =	strace $0x90000046  }
0xb3: {  	s29 =	simm.s32 $0x9;
	_ =	strace $0x80000048  }
0xb4: {  	_ =	swait.ge [sflag:s29], $0x1  }
0xb5: {  	[sflag:s29] =	ssyncadd.s32 $0xFFFFFFFF  }
0xb6: {  	_ =	strace $0x90000048  }
0xb7: {  	_ =	sfence  }
0xb8: {  	s30 =	sld [smem:$0x0];
	_ =	sdelay $0x2  }
0xb9: {  	s31 =	sshll.u32 s1, $0xD;
	s1 =	sshrl.u32 s1, $0x2  }
0xba: {  	s3 =	sand.u32 $0x4000, s31;
	s1 =	sadd.s32 s1, s30  }
0xbb: {  	s0 =	sor.u32 s3, s0;
	s1 =	sshll.u32 s1, $0x11  }
0xbc: {  	s0 =	sor.u32 s1, s0  }
0xbd: {  	s0 =	sadd.s32 $0x8F2B, s0  }
0xbe: {  	[sflag:s0] =	ssyncadd.remote.s32 $0x1  }
0xbf: {  	_ =	sfence.sel $0xFFFF  }
0xc0: {  	[dreg:$0x0] =	wrdreg $0xFFFFFFFF;
	(pc) =	sbr.abs _section_cstart, $3  }
0xc1: {  	[dreg:$0x1] =	wrdreg $0xFFFFFFFF  }
0xc2: {  	_ =	task.clear_ibuf [dreg:s7], $0x2FFFF;
	_ =	strace $0x9FFFFFFF  }
0xc3: {  	(tm) =	ssettm $0x7FFFFFFF  }
tec
execute0_lowered:
.L_overlay_start_1:
0x0: {  	(tag) =	ssettag $0x1  }
0x1: {  	s0 =	rddreg [dreg:$0x0]  }
0x2: {  	s1 =	rddreg [dreg:$0x1]  }
0x3: {  	s2 =	rddreg [dreg:$0x2];
	s3 =	simm.s32 $0x0;
	s4 =	srdreg.scid  }
0x4: {  	s24 =	stileid.u32;
	s28 =	simm.s32 $0x2;
	s29 =	simm.s32 $0x80  }
0x5: {  	s30 =	simm.s32 $0x1;
	s31 =	simm.s32 $0x0;
	[smem:$0x7FF] =	sst s3  }
0x6: {  	s5 =	sadd.s32 $0xCC00, s0;
	s4 =	sand.u32 $0x1, s4;
	s6 =	sadd.s32 $0x2C00, s0  }
0x7: {  	s11 =	sadd.s32 $0x35C00, s0;
	s9 =	smul.u32 $0x14000, s24;
	s16 =	sadd.s32 $0x85C00, s0  }
0x8: {  	s19 =	smul.u32 $0x50000, s24;
	_ =	strace $0x80000047;
	s7 =	ssub.s32 $0x2, s4  }
0x9: {  	s10 =	smul.u32 $0x140000, s4;
	s4 =	sshll.u32 s4, $0x4;
	s8 =	sshrl.u32 s7, $0x1  }
0xa: {  	s20 =	sadd.s32 $0x4000, s9;
	s21 =	sadd.s32 $0x8000, s9;
	s22 =	sadd.s32 $0xC000, s9  }
0xb: {  	s23 =	sadd.s32 $0x10000, s9;
	s24 =	sor.u32 s24, s4;
	s26 =	sshrl.u32 s19, $0x2  }
0xc: {  	s25 =	ssub.s32 s7, s8;
	s14 =	sadd.s32 s9, s10;
	s15 =	sadd.s32 s10, s20  }
0xd: {  	s18 =	sadd.s32 s10, s21;
	s19 =	sadd.s32 s26, s2;
	s20 =	sadd.s32 s20, s2  }
0xe: {  	s21 =	sadd.s32 s21, s2;
	s24 =	smul.u32 $0x2800, s24;
	s26 =	simm.s32 $0x100  }
0xf: {  	s12 =	sshrl.u32 s14, $0x3;
	s13 =	sshrl.u32 s15, $0x3;
	s14 =	sshrl.u32 s18, $0x3  }
0x10: {  	s15 =	sadd.s32 s10, s22;
	s10 =	sadd.s32 s10, s23;
	s18 =	sadd.s32 $0x35400, s0  }
0x11: {  	s22 =	sadd.s32 s22, s2;
	s23 =	sadd.s32 s23, s2;
	s25 =	smax.u32 s25, $0x1  }
0x12: {  	s7 =	sadd.s32 s11, s12;
	s17 =	sadd.s32 s11, s13;
	s9 =	sadd.s32 s11, s14  }
0x13: {  	s15 =	sshrl.u32 s15, $0x3;
	s12 =	sadd.s32 s16, s12;
	[dreg:$0x4] =	wrdreg s7  }
0x14: {  	s13 =	sadd.s32 s16, s13;
	s14 =	sadd.s32 s16, s14;
	[dreg:$0x5] =	wrdreg s17  }
0x15: {  	s17 =	sshrl.u32 s10, $0x3;
	s10 =	sadd.s32 s11, s15;
	s15 =	sadd.s32 s16, s15  }
0x16: {  	s11 =	sadd.s32 s11, s17;
	s16 =	sadd.s32 s16, s17;
	s17 =	sadd.s32 $0x34C00, s0  }
.LBB2_1:
0x17: {  	[tilespmem:s26], [sflag:$0x2] =	stream.linear.gather [hbm4b:s17+s3], $0x4000, $0x38;
	[tilespmem:$0x18100] =	vst v63  }
0x18: {  	_ =	swait.ge [sflag:s28], $0x4000  }
0x19: {  	[sflag:s28] =	ssyncset.done $0x0  }
0x1a: {  	[sflag:s28] =	ssyncadd.s32 $0xFFFFC000  }
0x1b: {  	[spmem:s19] =	stream.linear.scatter [tilespmem:s26], [sflag:$0x2], $0x4000, $0x38;
	[tilespmem:$0x18100] =	vst v63  }
0x1c: {  	_ =	swait.ge [sflag:s28], $0x4000  }
0x1d: {  	[sflag:s28] =	ssyncset.done $0x0  }
0x1e: {  	[sflag:s28] =	ssyncadd.s32 $0xFFFFC000  }
0x1f: {  	[spmem:s20] =	stream.linear.scatter [tilespmem:s26], [sflag:$0x2], $0x4000, $0x38;
	[tilespmem:$0x18100] =	vst v63  }
0x20: {  	_ =	swait.ge [sflag:s28], $0x4000  }
0x21: {  	[sflag:s28] =	ssyncset.done $0x0  }
0x22: {  	[sflag:s28] =	ssyncadd.s32 $0xFFFFC000  }
0x23: {  	[spmem:s21] =	stream.linear.scatter [tilespmem:s26], [sflag:$0x2], $0x4000, $0x38;
	[tilespmem:$0x18100] =	vst v63  }
0x24: {  	_ =	swait.ge [sflag:s28], $0x4000  }
0x25: {  	[sflag:s28] =	ssyncset.done $0x0  }
0x26: {  	[sflag:s28] =	ssyncadd.s32 $0xFFFFC000  }
0x27: {  	[spmem:s22] =	stream.linear.scatter [tilespmem:s26], [sflag:$0x2], $0x4000, $0x38;
	[tilespmem:$0x18100] =	vst v63  }
0x28: {  	_ =	swait.ge [sflag:s28], $0x4000  }
0x29: {  	[sflag:s28] =	ssyncset.done $0x0  }
0x2a: {  	s0 =	sand.u32 $0x3C00, s3;
	[sflag:s28] =	ssyncadd.s32 $0xFFFFC000  }
0x2b: {  	[spmem:s23] =	stream.linear.scatter [tilespmem:s26], [sflag:$0x2], $0x4000, $0x38;
	[tilespmem:$0x18100] =	vst v63  }
0x2c: {  	s4 =	sand.u32 $0x380, s3;
	s0 =	sadd.s32 s24, s0;
	_ =	swait.ge [sflag:s28], $0x4000  }
0x2d: {  	s0 =	sor.u32 s4, s0;
	[sflag:s28] =	ssyncset.done $0x0  }
0x2e: {  	s0 =	sshrl.u32 s0, $0x3;
	[sflag:s28] =	ssyncadd.s32 $0xFFFFC000  }
0x2f: {  	s8 =	sadd.s32 s1, s0;
	[bflag:$0x0] =	sbarrier.arrive $0xFFFF  }
0x30: {  	[tilespmem:s3], [sflag:$0x2] =	stream.linear.gather [hbm4b:s8+s3], $0x80, $0x38;
	[tilespmem:$0x18100] =	vst v63  }
0x31: {  	_ =	swait.ge [sflag:s28], $0x80  }
0x32: {  	[sflag:s28] =	ssyncset.done $0x0  }
0x33: {  	s0 =	sadd.s32 s6, s0;
	[sflag:s28] =	ssyncadd.s32 $0xFFFFFF80  }
0x34: {  	[tilespmem:s29], [sflag:$0x2] =	stream.linear.gather [hbm4b:s0+s3], $0x80, $0x38;
	[tilespmem:$0x18100] =	vst v63  }
0x35: {  	_ =	swait.ge [sflag:s28], $0x80  }
0x36: {  	[sflag:s28] =	ssyncset.done $0x0  }
0x37: {  	[sflag:s28] =	ssyncadd.s32 $0xFFFFFF80  }
0x38: {  	[tilespmem:s26], [sflag:$0x1] =	stream.indirect.gather [hbm4b:s5+s29], $0x80, s3, s29, $0xb8;
	[tilespmem:$0x18100] =	vst v63  }
0x39: {  	_ =	swait.ge [sflag:s30], $0x4000  }
0x3a: {  	s7 =	simm.s32 $0x80;
	[sflag:s30] =	ssyncset.done $0x0  }
0x3b: {  	s8 =	sand.u32 $0x3C00, s7;
	[sflag:s30] =	ssyncadd.s32 $0xFFFFC000  }
0x3c: {  	[spmem:s2] =	stream.indirect.scatter.add.f32 [tilespmem:s26], [sflag:$0x2], $0x80, s29, s29, $0xb8;
	[tilespmem:$0x18100] =	vst v63  }
0x3d: {  	s7 =	sand.u32 $0x380, s7;
	s4 =	sadd.s32 s24, s8;
	_ =	swait.ge [sflag:s28], $0x4000  }
0x3e: {  	s4 =	sor.u32 s7, s4;
	s0 =	simm.s32 $0x100;
	[sflag:s28] =	ssyncset.done $0x0  }
.LBB2_2:
0x3f: {  	s4 =	sshrl.u32 s4, $0x3  }
0x40: {  	[sflag:s28] =	ssyncadd.s32 $0xFFFFC000;
	s7 =	smov.u32 s0;
	s8 =	sadd.s32 $0x80, s0  }
0x41: {  	p0 =	sne.s32 s0, $0x2700;
	s0 =	sadd.s32 s1, s4  }
0x42: {  	[tilespmem:s3], [sflag:$0x2] =	stream.linear.gather [hbm4b:s0+s3], $0x80, $0x38;
	[tilespmem:$0x18100] =	vst v63  }
0x43: {  	_ =	swait.ge [sflag:s28], $0x80  }
0x44: {  	[sflag:s28] =	ssyncset.done $0x0  }
0x45: {  	s0 =	sadd.s32 s6, s4;
	[sflag:s28] =	ssyncadd.s32 $0xFFFFFF80  }
0x46: {  	[tilespmem:s29], [sflag:$0x2] =	stream.linear.gather [hbm4b:s0+s3], $0x80, $0x38;
	[tilespmem:$0x18100] =	vst v63  }
0x47: {  	_ =	swait.ge [sflag:s28], $0x80  }
0x48: {  	[sflag:s28] =	ssyncset.done $0x0  }
0x49: {  	[sflag:s28] =	ssyncadd.s32 $0xFFFFFF80  }
0x4a: {  	[tilespmem:s26], [sflag:$0x1] =	stream.indirect.gather [hbm4b:s5+s29], $0x80, s3, s29, $0xb8;
	[tilespmem:$0x18100] =	vst v63  }
0x4b: {  	_ =	swait.ge [sflag:s30], $0x4000  }
.Ltmp0:
0x4c: {  	[sflag:s30] =	ssyncset.done $0x0;
	(pc) =	sbr.rel @p0 .LBB2_2-.Ltmp0, $4  }
0x4d: {  	s0 =	sand.u32 $0x3C00, s7;
	[sflag:s30] =	ssyncadd.s32 $0xFFFFC000  }
0x4e: {  	[spmem:s2] =	stream.indirect.scatter.add.f32 [tilespmem:s26], [sflag:$0x2], $0x80, s29, s29, $0xb8;
	[tilespmem:$0x18100] =	vst v63  }
0x4f: {  	s4 =	sand.u32 $0x380, s7;
	s0 =	sadd.s32 s24, s0;
	_ =	swait.ge [sflag:s28], $0x4000  }
0x50: {  	s4 =	sor.u32 s4, s0;
	s0 =	smov.u32 s8;
	[sflag:s28] =	ssyncset.done $0x0  }
0x51: {  	s0 =	sshrl.u32 s4, $0x3  }
0x52: {  	[sflag:s28] =	ssyncadd.s32 $0xFFFFC000;
	s4 =	sadd.s32 s1, s0  }
0x53: {  	[tilespmem:s3], [sflag:$0x2] =	stream.linear.gather [hbm4b:s4+s3], $0x80, $0x38;
	[tilespmem:$0x18100] =	vst v63  }
0x54: {  	_ =	swait.ge [sflag:s28], $0x80  }
0x55: {  	[sflag:s28] =	ssyncset.done $0x0  }
0x56: {  	s0 =	sadd.s32 s6, s0;
	[sflag:s28] =	ssyncadd.s32 $0xFFFFFF80  }
0x57: {  	[tilespmem:s29], [sflag:$0x2] =	stream.linear.gather [hbm4b:s0+s3], $0x80, $0x38;
	[tilespmem:$0x18100] =	vst v63  }
0x58: {  	_ =	swait.ge [sflag:s28], $0x80  }
0x59: {  	[sflag:s28] =	ssyncset.done $0x0  }
0x5a: {  	[sflag:s28] =	ssyncadd.s32 $0xFFFFFF80  }
0x5b: {  	[tilespmem:s26], [sflag:$0x1] =	stream.indirect.gather [hbm4b:s5+s29], $0x80, s3, s29, $0xb8;
	[tilespmem:$0x18100] =	vst v63  }
0x5c: {  	_ =	swait.ge [sflag:s30], $0x4000  }
0x5d: {  	[sflag:s30] =	ssyncset.done $0x0  }
0x5e: {  	[sflag:s30] =	ssyncadd.s32 $0xFFFFC000  }
0x5f: {  	[spmem:s2] =	stream.indirect.scatter.add.f32 [tilespmem:s26], [sflag:$0x2], $0x80, s29, s29, $0xb8;
	[tilespmem:$0x18100] =	vst v63  }
0x60: {  	_ =	swait.ge [sflag:s28], $0x4000  }
0x61: {  	[sflag:s28] =	ssyncset.done $0x0  }
0x62: {  	[sflag:s28] =	ssyncadd.s32 $0xFFFFC000  }
0x63: {  	[bflag:$0x0] =	sbarrier.arrive $0xFFFF  }
0x64: {  	[tilespmem:s26], [sflag:$0x2] =	stream.linear.gather [spmem:s19], $0x4000, $0x38;
	[tilespmem:$0x18100] =	vst v63  }
0x65: {  	_ =	swait.ge [sflag:s28], $0x4000  }
0x66: {  	[sflag:s28] =	ssyncset.done $0x0  }
0x67: {  	s0 =	simm.s32 $0x0;
	s8 =	rddreg [dreg:$0x4];
	[sflag:s28] =	ssyncadd.s32 $0xFFFFC000  }
0x68: {  	[hbm4b:s8+s0] =	stream.linear.scatter [tilespmem:s26], [sflag:$0x2], $0x4000, $0x38;
	[tilespmem:$0x18100] =	vst v63  }
0x69: {  	_ =	swait.ge [sflag:s28], $0x4000  }
0x6a: {  	[sflag:s28] =	ssyncset.done $0x0  }
0x6b: {  	[sflag:s28] =	ssyncadd.s32 $0xFFFFC000  }
0x6c: {  	[tilespmem:s26], [sflag:$0x2] =	stream.linear.gather [spmem:s20], $0x4000, $0x38;
	[tilespmem:$0x18100] =	vst v63  }
0x6d: {  	_ =	swait.ge [sflag:s28], $0x4000  }
0x6e: {  	[sflag:s28] =	ssyncset.done $0x0  }
0x6f: {  	s7 =	rddreg [dreg:$0x5];
	[sflag:s28] =	ssyncadd.s32 $0xFFFFC000  }
0x70: {  	[hbm4b:s7+s0] =	stream.linear.scatter [tilespmem:s26], [sflag:$0x2], $0x4000, $0x38;
	[tilespmem:$0x18100] =	vst v63  }
0x71: {  	_ =	swait.ge [sflag:s28], $0x4000  }
0x72: {  	[sflag:s28] =	ssyncset.done $0x0  }
0x73: {  	[sflag:s28] =	ssyncadd.s32 $0xFFFFC000  }
0x74: {  	[tilespmem:s26], [sflag:$0x2] =	stream.linear.gather [spmem:s21], $0x4000, $0x38;
	[tilespmem:$0x18100] =	vst v63  }
0x75: {  	_ =	swait.ge [sflag:s28], $0x4000  }
0x76: {  	[sflag:s28] =	ssyncset.done $0x0  }
0x77: {  	[sflag:s28] =	ssyncadd.s32 $0xFFFFC000  }
0x78: {  	[hbm4b:s9+s0] =	stream.linear.scatter [tilespmem:s26], [sflag:$0x2], $0x4000, $0x38;
	[tilespmem:$0x18100] =	vst v63  }
0x79: {  	_ =	swait.ge [sflag:s28], $0x4000  }
0x7a: {  	[sflag:s28] =	ssyncset.done $0x0  }
0x7b: {  	[sflag:s28] =	ssyncadd.s32 $0xFFFFC000  }
0x7c: {  	[tilespmem:s26], [sflag:$0x2] =	stream.linear.gather [spmem:s22], $0x4000, $0x38;
	[tilespmem:$0x18100] =	vst v63  }
0x7d: {  	_ =	swait.ge [sflag:s28], $0x4000  }
0x7e: {  	[sflag:s28] =	ssyncset.done $0x0  }
0x7f: {  	[sflag:s28] =	ssyncadd.s32 $0xFFFFC000  }
0x80: {  	[hbm4b:s10+s0] =	stream.linear.scatter [tilespmem:s26], [sflag:$0x2], $0x4000, $0x38;
	[tilespmem:$0x18100] =	vst v63  }
0x81: {  	_ =	swait.ge [sflag:s28], $0x4000  }
0x82: {  	[sflag:s28] =	ssyncset.done $0x0  }
0x83: {  	[sflag:s28] =	ssyncadd.s32 $0xFFFFC000  }
0x84: {  	[tilespmem:s26], [sflag:$0x2] =	stream.linear.gather [spmem:s23], $0x4000, $0x38;
	[tilespmem:$0x18100] =	vst v63  }
0x85: {  	_ =	swait.ge [sflag:s28], $0x4000  }
0x86: {  	[sflag:s28] =	ssyncset.done $0x0  }
0x87: {  	[sflag:s28] =	ssyncadd.s32 $0xFFFFC000  }
0x88: {  	[hbm4b:s11+s0] =	stream.linear.scatter [tilespmem:s26], [sflag:$0x2], $0x4000, $0x38;
	[tilespmem:$0x18100] =	vst v63  }
0x89: {  	_ =	swait.ge [sflag:s28], $0x4000  }
0x8a: {  	[sflag:s28] =	ssyncset.done $0x0  }
0x8b: {  	[sflag:s28] =	ssyncadd.s32 $0xFFFFC000  }
0x8c: {  	[bflag:$0x0] =	sbarrier.arrive $0xFFFF  }
0x8d: {  	[tilespmem:s26], [sflag:$0x2] =	stream.linear.gather [hbm4b:s17+s0], $0x4000, $0x38;
	[tilespmem:$0x18100] =	vst v63  }
0x8e: {  	_ =	swait.ge [sflag:s28], $0x4000  }
0x8f: {  	[sflag:s28] =	ssyncset.done $0x0  }
0x90: {  	[sflag:s28] =	ssyncadd.s32 $0xFFFFC000  }
0x91: {  	[spmem:s19] =	stream.linear.scatter [tilespmem:s26], [sflag:$0x2], $0x4000, $0x38;
	[tilespmem:$0x18100] =	vst v63  }
0x92: {  	_ =	swait.ge [sflag:s28], $0x4000  }
0x93: {  	[sflag:s28] =	ssyncset.done $0x0  }
0x94: {  	[sflag:s28] =	ssyncadd.s32 $0xFFFFC000  }
0x95: {  	[spmem:s20] =	stream.linear.scatter [tilespmem:s26], [sflag:$0x2], $0x4000, $0x38;
	[tilespmem:$0x18100] =	vst v63  }
0x96: {  	_ =	swait.ge [sflag:s28], $0x4000  }
0x97: {  	[sflag:s28] =	ssyncset.done $0x0  }
0x98: {  	[sflag:s28] =	ssyncadd.s32 $0xFFFFC000  }
0x99: {  	[spmem:s21] =	stream.linear.scatter [tilespmem:s26], [sflag:$0x2], $0x4000, $0x38;
	[tilespmem:$0x18100] =	vst v63  }
0x9a: {  	_ =	swait.ge [sflag:s28], $0x4000  }
0x9b: {  	[sflag:s28] =	ssyncset.done $0x0  }
0x9c: {  	[sflag:s28] =	ssyncadd.s32 $0xFFFFC000  }
0x9d: {  	[spmem:s22] =	stream.linear.scatter [tilespmem:s26], [sflag:$0x2], $0x4000, $0x38;
	[tilespmem:$0x18100] =	vst v63  }
0x9e: {  	_ =	swait.ge [sflag:s28], $0x4000  }
0x9f: {  	[sflag:s28] =	ssyncset.done $0x0  }
0xa0: {  	[sflag:s28] =	ssyncadd.s32 $0xFFFFC000  }
0xa1: {  	[spmem:s23] =	stream.linear.scatter [tilespmem:s26], [sflag:$0x2], $0x4000, $0x38;
	[tilespmem:$0x18100] =	vst v63  }
0xa2: {  	_ =	swait.ge [sflag:s28], $0x4000  }
0xa3: {  	[sflag:s28] =	ssyncset.done $0x0  }
0xa4: {  	[sflag:s28] =	ssyncadd.s32 $0xFFFFC000  }
0xa5: {  	s8 =	sand.u32 $0x3C00, s0;
	[bflag:$0x0] =	sbarrier.arrive $0xFFFF  }
0xa6: {  	[tilespmem:s26], [sflag:$0x2] =	stream.linear.gather [hbm4b:s18+s0], $0x4000, $0x38;
	[tilespmem:$0x18100] =	vst v63  }
0xa7: {  	s4 =	sadd.s32 s24, s8;
	s0 =	sand.u32 $0x380, s0  }
0xa8: {  	_ =	swait.ge [sflag:s28], $0x4000;
	s0 =	sor.u32 s0, s4  }
0xa9: {  	[sflag:s28] =	ssyncset.done $0x0;
	s0 =	sshrl.u32 s0, $0x3  }
0xaa: {  	[sflag:s28] =	ssyncadd.s32 $0xFFFFC000;
	s0 =	sadd.s32 s6, s0  }
0xab: {  	[tilespmem:s29], [sflag:$0x2] =	stream.linear.gather [hbm4b:s0+s3], $0x80, $0x38;
	[tilespmem:$0x18100] =	vst v63  }
0xac: {  	_ =	swait.ge [sflag:s28], $0x80  }
0xad: {  	s7 =	simm.s32 $0x80;
	[sflag:s28] =	ssyncset.done $0x0  }
0xae: {  	s8 =	sand.u32 $0x3C00, s7;
	[sflag:s28] =	ssyncadd.s32 $0xFFFFFF80  }
0xaf: {  	[spmem:s2] =	stream.indirect.scatter.add.f32 [tilespmem:s26], [sflag:$0x2], $0x80, s29, s29, $0xb8;
	[tilespmem:$0x18100] =	vst v63  }
0xb0: {  	s7 =	sand.u32 $0x380, s7;
	s4 =	sadd.s32 s24, s8;
	_ =	swait.ge [sflag:s28], $0x4000  }
0xb1: {  	s4 =	sor.u32 s7, s4;
	s0 =	simm.s32 $0x100;
	[sflag:s28] =	ssyncset.done $0x0  }
.LBB2_4:
0xb2: {  	s4 =	sshrl.u32 s4, $0x3  }
0xb3: {  	[sflag:s28] =	ssyncadd.s32 $0xFFFFC000;
	s7 =	smov.u32 s0;
	s8 =	sadd.s32 $0x80, s0  }
0xb4: {  	p0 =	sne.s32 s0, $0x2700;
	s0 =	sadd.s32 s6, s4  }
0xb5: {  	[tilespmem:s29], [sflag:$0x2] =	stream.linear.gather [hbm4b:s0+s3], $0x80, $0x38;
	[tilespmem:$0x18100] =	vst v63  }
0xb6: {  	_ =	swait.ge [sflag:s28], $0x80  }
.Ltmp1:
0xb7: {  	[sflag:s28] =	ssyncset.done $0x0;
	(pc) =	sbr.rel @p0 .LBB2_4-.Ltmp1, $4  }
0xb8: {  	s0 =	sand.u32 $0x3C00, s7;
	[sflag:s28] =	ssyncadd.s32 $0xFFFFFF80  }
0xb9: {  	[spmem:s2] =	stream.indirect.scatter.add.f32 [tilespmem:s26], [sflag:$0x2], $0x80, s29, s29, $0xb8;
	[tilespmem:$0x18100] =	vst v63  }
0xba: {  	s4 =	sand.u32 $0x380, s7;
	s0 =	sadd.s32 s24, s0;
	_ =	swait.ge [sflag:s28], $0x4000  }
0xbb: {  	s4 =	sor.u32 s4, s0;
	s0 =	smov.u32 s8;
	[sflag:s28] =	ssyncset.done $0x0  }
0xbc: {  	s0 =	sshrl.u32 s4, $0x3  }
0xbd: {  	[sflag:s28] =	ssyncadd.s32 $0xFFFFC000;
	s0 =	sadd.s32 s6, s0  }
0xbe: {  	[tilespmem:s29], [sflag:$0x2] =	stream.linear.gather [hbm4b:s0+s3], $0x80, $0x38;
	[tilespmem:$0x18100] =	vst v63  }
0xbf: {  	_ =	swait.ge [sflag:s28], $0x80  }
0xc0: {  	[sflag:s28] =	ssyncset.done $0x0  }
0xc1: {  	[sflag:s28] =	ssyncadd.s32 $0xFFFFFF80  }
0xc2: {  	[spmem:s2] =	stream.indirect.scatter.add.f32 [tilespmem:s26], [sflag:$0x2], $0x80, s29, s29, $0xb8;
	[tilespmem:$0x18100] =	vst v63  }
0xc3: {  	_ =	swait.ge [sflag:s28], $0x4000  }
0xc4: {  	[sflag:s28] =	ssyncset.done $0x0  }
0xc5: {  	[sflag:s28] =	ssyncadd.s32 $0xFFFFC000  }
0xc6: {  	[bflag:$0x0] =	sbarrier.arrive $0xFFFF  }
0xc7: {  	[tilespmem:s26], [sflag:$0x2] =	stream.linear.gather [spmem:s19], $0x4000, $0x38;
	[tilespmem:$0x18100] =	vst v63  }
0xc8: {  	_ =	swait.ge [sflag:s28], $0x4000  }
0xc9: {  	[sflag:s28] =	ssyncset.done $0x0  }
0xca: {  	[sflag:s28] =	ssyncadd.s32 $0xFFFFC000  }
0xcb: {  	[hbm4b:s12+s3] =	stream.linear.scatter [tilespmem:s26], [sflag:$0x2], $0x4000, $0x38;
	[tilespmem:$0x18100] =	vst v63  }
0xcc: {  	_ =	swait.ge [sflag:s28], $0x4000  }
0xcd: {  	[sflag:s28] =	ssyncset.done $0x0  }
0xce: {  	[sflag:s28] =	ssyncadd.s32 $0xFFFFC000  }
0xcf: {  	[tilespmem:s26], [sflag:$0x2] =	stream.linear.gather [spmem:s20], $0x4000, $0x38;
	[tilespmem:$0x18100] =	vst v63  }
0xd0: {  	_ =	swait.ge [sflag:s28], $0x4000  }
0xd1: {  	[sflag:s28] =	ssyncset.done $0x0  }
0xd2: {  	[sflag:s28] =	ssyncadd.s32 $0xFFFFC000  }
0xd3: {  	[hbm4b:s13+s3] =	stream.linear.scatter [tilespmem:s26], [sflag:$0x2], $0x4000, $0x38;
	[tilespmem:$0x18100] =	vst v63  }
0xd4: {  	_ =	swait.ge [sflag:s28], $0x4000  }
0xd5: {  	[sflag:s28] =	ssyncset.done $0x0  }
0xd6: {  	[sflag:s28] =	ssyncadd.s32 $0xFFFFC000  }
0xd7: {  	[tilespmem:s26], [sflag:$0x2] =	stream.linear.gather [spmem:s21], $0x4000, $0x38;
	[tilespmem:$0x18100] =	vst v63  }
0xd8: {  	_ =	swait.ge [sflag:s28], $0x4000  }
0xd9: {  	[sflag:s28] =	ssyncset.done $0x0  }
0xda: {  	[sflag:s28] =	ssyncadd.s32 $0xFFFFC000  }
0xdb: {  	[hbm4b:s14+s3] =	stream.linear.scatter [tilespmem:s26], [sflag:$0x2], $0x4000, $0x38;
	[tilespmem:$0x18100] =	vst v63  }
0xdc: {  	_ =	swait.ge [sflag:s28], $0x4000  }
0xdd: {  	[sflag:s28] =	ssyncset.done $0x0  }
0xde: {  	[sflag:s28] =	ssyncadd.s32 $0xFFFFC000  }
0xdf: {  	[tilespmem:s26], [sflag:$0x2] =	stream.linear.gather [spmem:s22], $0x4000, $0x38;
	[tilespmem:$0x18100] =	vst v63  }
0xe0: {  	_ =	swait.ge [sflag:s28], $0x4000  }
0xe1: {  	[sflag:s28] =	ssyncset.done $0x0  }
0xe2: {  	[sflag:s28] =	ssyncadd.s32 $0xFFFFC000  }
0xe3: {  	[hbm4b:s15+s3] =	stream.linear.scatter [tilespmem:s26], [sflag:$0x2], $0x4000, $0x38;
	[tilespmem:$0x18100] =	vst v63  }
0xe4: {  	_ =	swait.ge [sflag:s28], $0x4000  }
0xe5: {  	[sflag:s28] =	ssyncset.done $0x0  }
0xe6: {  	[sflag:s28] =	ssyncadd.s32 $0xFFFFC000  }
0xe7: {  	[tilespmem:s26], [sflag:$0x2] =	stream.linear.gather [spmem:s23], $0x4000, $0x38;
	[tilespmem:$0x18100] =	vst v63  }
0xe8: {  	s31 =	sadd.s32 $0x1, s31;
	_ =	swait.ge [sflag:s28], $0x4000  }
0xe9: {  	p0 =	sne.s32 s31, s25;
	[sflag:s28] =	ssyncset.done $0x0  }
.Ltmp2:
0xea: {  	[sflag:s28] =	ssyncadd.s32 $0xFFFFC000;
	(pc) =	sbr.rel @p0 .LBB2_1-.Ltmp2, $4  }
0xeb: {  	[hbm4b:s16+s3] =	stream.linear.scatter [tilespmem:s26], [sflag:$0x2], $0x4000, $0x38;
	[tilespmem:$0x18100] =	vst v63  }
0xec: {  	_ =	swait.ge [sflag:s28], $0x4000  }
0xed: {  	[sflag:s28] =	ssyncset.done $0x0  }
0xee: {  	[sflag:s28] =	ssyncadd.s32 $0xFFFFC000  }
0xef: {  	_ =	sfence.sel $0x180000  }
0xf0: {  	[bflag:$0x0] =	sbarrier.arrive $0xFFFF  }
0xf1: {  	_ =	strace $0x90000047  }
0xf2: {  	s0 =	stileid.u32;
	[bflag:$0x2] =	sbarrier.arrive $0xFFFF  }
0xf3: {  	p0 =	sne.s32 s0, $0x0;
	s0 =	rddreg [dreg:$0x3]  }
0xf4: {  	s0 =	sadd.s32 @!p0 $0x100000, s0  }
0xf5: {  	[sflag:s0] =	ssyncadd.tile.s32 @!p0 $0x1;
	_ =	shalt  }
.Lfunc_end2:
_tile_overlayer_lowered:
.L_overlay_start_2:
0xf6: {  	(tag) =	ssettag $0x2  }
0xf7: {  	s0 =	rddreg [dreg:$0x0];
	s2 =	stileid.u32  }
0xf8: {  	s1 =	rddreg [dreg:$0x1];
	p0 =	sne.s32 s2, $0x0  }
0xf9: {  	s3 =	rddreg [dreg:$0x2];
	[bflag:$0x3] =	sbarrier.arrive $0xFFFF;
	s2 =	simm.s32 @!p0 $0x1C02  }
0xfa: {  	[timem:s3], [sflag:s2] =	dma.local @!p0 [hbm:s0], s1  }
0xfb: {  	s0 =	simm.s32 @!p0 $0x2  }
0xfc: {  	_ =	swait.ge @!p0 [sflag:s0], s1  }
0xfd: {  	s1 =	ssub.s32 @!p0 $0x0, s1;
	[sflag:s0] =	ssyncset.done @!p0 $0x0  }
0xfe: {  	[sflag:s0] =	ssyncadd.s32 @!p0 s1  }
0xff: {  	[bflag:$0x3] =	sbarrier.arrive $0xFFFF  }
0x100: {  	_ =	shalt  }

// kernel: kernel.9.cloned.1.call-start
scs
__scs_entry_jumppad:
0x0: {  	(pc) =	sbr.rel $0x88, $3  }
0x1: {  	(tag) =	ssettag $0x0;
	lr =	simm.s32 $0x1  }
0x2: {  	[smem:$0x3F97] =	sst lr;
	_ =	strace $0xD0000000  }
0x3: {  	_ = 	snop  }
0x4: {  	_ = 	snop  }
0x5: {  	_ = 	snop  }
0x6: {  	_ = 	snop  }
0x7: {  	_ = 	snop  }
__scs_overlays_trampoline_lowered:
0x8: {  	[smem:$0x3FA6] =	sst s0  }
0x9: {  	[smem:$0x3FA7] =	sst s1  }
0xa: {  	[smem:$0x3FA8] =	sst s2  }
0xb: {  	[smem:$0x3FA9] =	sst s3  }
0xc: {  	[smem:$0x3FAA] =	sst s4  }
0xd: {  	[smem:$0x3FAB] =	sst s5  }
0xe: {  	[smem:$0x3FAC] =	sst s6  }
0xf: {  	[smem:$0x3FAD] =	sst s7  }
0x10: {  	[smem:$0x3FAE] =	sst s8  }
0x11: {  	[smem:$0x3FAF] =	sst s9;
	s0 =	simm.s32 @!p0 $0x0  }
0x12: {  	s1 =	sld [smem:$0x3F95];
	s0 =	simm.s32 @p0 $0x1  }
0x13: {  	[smem:$0x3FB0] =	sst s0;
	s0 =	simm.s32 @!p1 $0x0  }
0x14: {  	s2 =	sld [smem:$0x3F94];
	s0 =	simm.s32 @p1 $0x1  }
0x15: {  	[smem:$0x3FB1] =	sst s0;
	s0 =	simm.s32 @!p2 $0x0  }
0x16: {  	s3 =	sld [smem:$0x3FDB];
	s0 =	simm.s32 @p2 $0x1  }
0x17: {  	s4 =	simm.s32 $0x1BF5;
	[smem:$0x3FB3] =	sst s0  }
0x18: {  	s0 =	sld [smem:$0x3F96];
	_ =	swait.ge [sflag:s4], $0x0  }
0x19: {  	s7 =	sld [smem:$0x3F97]  }
0x1a: {  	s8 =	sadd.s32 $0xFFFFE003, lr  }
0x1b: {  	s9 =	sadd.s32 $0xFFFFFEF7, lr;
	s5 =	simm.s32 $0xFFFFFFFF;
	p2 =	slt.u32 s8, $0xFFFFF086  }
0x1c: {  	p1 =	slt.u32 s9, $0xF7A;
	s5 =	simm.s32 @!p2 $0x0  }
0x1d: {  	s5 =	simm.s32 @p1 $0x1;
	p0 =	seq.s32 s7, s2  }
0x1e: {  	s7 =	smul.u32 @!p0 $0xF7A, s2;
	p2 =	seq.s32 @!p0 s5, $0x0  }
0x1f: {  	s9 =	smul.u32 $0xF7A, s1;
	s8 =	simm.s32 @!p0 $0x1BF5;
	p2 =	por !p2, p0  }
0x20: {  	[sflag:s8] =	ssyncset.s32 @!p0 $0xFFFFF086;
	s6 =	sadd.s32 @!p0 s3, s7;
	s7 =	simm.s32 @!p0 $0x108  }
0x21: {  	s3 =	sadd.s32 s3, s9;
	s6 =	sadd.s32 @!p0 $0x88, s6;
	s7 =	simm.s32 @p2 $0x1082  }
0x22: {  	[simem:s7], [sflag:s8] =	dma.local @!p0 [hbm:s6], $0xF7A  }
0x23: {  	s9 =	sor.u32 $0xD0000000, s2;
	s6 =	simm.s32 $0x108;
	_ =	swait.ge @!p0 [sflag:s8], $0x0  }
0x24: {  	s3 =	sadd.s32 $0x88, s3;
	s6 =	simm.s32 @!p1 $0x1082;
	[sflag:s4] =	ssyncset.s32 $0xFFFFF086  }
0x25: {  	[simem:s6], [sflag:s4] =	dma.local [hbm:s3], $0xF7A  }
0x26: {  	[smem:$0x3F97] =	sst s1;
	(tag) =	ssettag s2;
	_ =	strace s9  }
0x27: {  	s1 =	sld [smem:$0x3FA7]  }
0x28: {  	s2 =	sld [smem:$0x3FA8]  }
0x29: {  	s4 =	sld [smem:$0x3FAA]  }
0x2a: {  	p0 =	seq.s32 s5, $0x0;
	s5 =	sld [smem:$0x3FAB]  }
0x2b: {  	s6 =	sld [smem:$0x3FAC]  }
0x2c: {  	s7 =	sld [smem:$0x3FAD]  }
0x2d: {  	s3 =	simm.s32 $0x108;
	s8 =	sld [smem:$0x3FAE]  }
0x2e: {  	s3 =	simm.s32 @!p0 $0x1082;
	s9 =	sld [smem:$0x3FAF]  }
0x2f: {  	lr =	sadd.s32 s0, s3;
	s0 =	sld [smem:$0x3FA6]  }
0x30: {  	s3 =	sld [smem:$0x3FA9]  }
0x31: {  	[smem:$0x3FB2] =	sst s10  }
0x32: {  	s10 =	sld [smem:$0x3FB0];
	_ =	sdelay $0x3  }
0x33: {  	p0 =	seq.s32 s10, $0x1;
	s10 =	sld [smem:$0x3FB2];
	_ =	sdelay $0x3  }
0x34: {  	[smem:$0x3FB2] =	sst s10  }
0x35: {  	s10 =	sld [smem:$0x3FB1];
	_ =	sdelay $0x3  }
0x36: {  	p1 =	seq.s32 s10, $0x1;
	s10 =	sld [smem:$0x3FB2];
	_ =	sdelay $0x3  }
0x37: {  	[smem:$0x3FB2] =	sst s10  }
0x38: {  	s10 =	sld [smem:$0x3FB3]  }
0x39: {  	_ = 	snop;
	(pc) =	sbr.ind lr, $3  }
0x3a: {  	_ = 	snop  }
0x3b: {  	_ = 	snop  }
0x3c: {  	p2 =	seq.s32 s10, $0x1;
	s10 =	sld [smem:$0x3FB2]  }
0x3d: {  	_ =	shalt  }
0x3e: {  	_ =	shalt  }
0x3f: {  	_ =	shalt  }
0x40: {  	_ =	shalt  }
0x41: {  	_ =	shalt  }
0x42: {  	_ =	shalt  }
0x43: {  	_ =	shalt  }
0x44: {  	_ =	shalt  }
0x45: {  	_ =	shalt  }
0x46: {  	_ =	shalt  }
0x47: {  	_ =	shalt  }
0x48: {  	_ =	shalt  }
0x49: {  	_ =	shalt  }
0x4a: {  	_ =	shalt  }
0x4b: {  	_ =	shalt  }
0x4c: {  	_ =	shalt  }
0x4d: {  	_ =	shalt  }
0x4e: {  	_ =	shalt  }
0x4f: {  	_ =	shalt  }
0x50: {  	_ =	shalt  }
0x51: {  	_ =	shalt  }
0x52: {  	_ =	shalt  }
0x53: {  	_ =	shalt  }
0x54: {  	_ =	shalt  }
0x55: {  	_ =	shalt  }
0x56: {  	_ =	shalt  }
0x57: {  	_ =	shalt  }
0x58: {  	_ =	shalt  }
0x59: {  	_ =	shalt  }
0x5a: {  	_ =	shalt  }
0x5b: {  	_ =	shalt  }
0x5c: {  	_ =	shalt  }
0x5d: {  	_ =	shalt  }
0x5e: {  	_ =	shalt  }
0x5f: {  	_ =	shalt  }
0x60: {  	_ =	shalt  }
0x61: {  	_ =	shalt  }
0x62: {  	_ =	shalt  }
0x63: {  	_ =	shalt  }
0x64: {  	_ =	shalt  }
0x65: {  	_ =	shalt  }
0x66: {  	_ =	shalt  }
0x67: {  	_ =	shalt  }
0x68: {  	_ =	shalt  }
0x69: {  	_ =	shalt  }
0x6a: {  	_ =	shalt  }
0x6b: {  	_ =	shalt  }
0x6c: {  	_ =	shalt  }
0x6d: {  	_ =	shalt  }
0x6e: {  	_ =	shalt  }
0x6f: {  	_ =	shalt  }
0x70: {  	_ =	shalt  }
0x71: {  	_ =	shalt  }
0x72: {  	_ =	shalt  }
0x73: {  	_ =	shalt  }
0x74: {  	_ =	shalt  }
0x75: {  	_ =	shalt  }
0x76: {  	_ =	shalt  }
0x77: {  	_ =	shalt  }
0x78: {  	_ =	shalt  }
0x79: {  	_ =	shalt  }
0x7a: {  	_ =	shalt  }
0x7b: {  	_ =	shalt  }
0x7c: {  	_ =	shalt  }
0x7d: {  	_ =	shalt  }
0x7e: {  	_ =	shalt  }
0x7f: {  	_ =	shalt  }
0x80: {  	_ =	shalt  }
0x81: {  	_ =	shalt  }
0x82: {  	_ =	shalt  }
0x83: {  	_ =	shalt  }
0x84: {  	_ =	shalt  }
0x85: {  	_ =	shalt  }
0x86: {  	_ =	shalt  }
0x87: {  	_ =	shalt  }
.Lfunc_end0:
.L_simem_size_0:
called_computation.1_lowered:
.L_overlay_start_0:
0x88: {  	s2 =	sld [smem:$0x3FD9]  }
0x89: {  	s3 =	sld [smem:$0x3FFE];
	_ =	sdelay $0x1  }
0x8a: {  	s1 =	srdreg.scid  }
0x8b: {  	s0 =	sand.u32 $0x1, s1  }
0x8c: {  	s17 =	sshll.u32 s0, $0xA;
	s2 =	sadd.s32 s3, s2  }
0x8d: {  	s2 =	sadd.s32 s2, s17  }
0x8e: {  	[smem:$0x3FBE] =	sst s2  }
0x8f: {  	_ = 	snop  }
0x90: {  	s2 =	sld [smem:$0x3FD0];
	(tm) =	ssettm $0x1  }
0x91: {  	s18 =	sld [smem:$0x3FFB];
	_ =	sdelay $0x3  }
0x92: {  	_ =	strace s18  }
0x93: {  	s3 =	sld [smem:$0x3FFC];
	_ =	sdelay $0x3  }
0x94: {  	_ =	strace s3  }
0x95: {  	s3 =	sld [smem:$0x3FFD];
	_ =	sdelay $0x3  }
0x96: {  	_ =	strace s3  }
0x97: {  	_ =	strace $0x8FFFFFFF  }
0x98: {  	s19 =	sld [smem:$0x3FDB];
	_ =	sdelay $0x1  }
0x99: {  	s4 =	simm.s32 $_scs_section_size  }
0x9a: {  	s5 =	simm.s32 $_size__tile_overlayer_lowered;
	s6 =	simm.s32 $_tile_overlayer_lowered  }
0x9b: {  	s22 =	simm.s32 $0x1BFF;
	s21 =	sshll.u32 s6, $0x1;
	s3 =	sadd.s32 s4, s19  }
0x9c: {  	s7 =	simm.s32 $0x0;
	s20 =	sshll.u32 s5, $0x1;
	s5 =	sadd.s32 s21, s3  }
0x9d: {  	[timem:s7], [sflag:s22] =	dma.local [hbm:s5], s20  }
0x9e: {  	_ =	swait.ge [sflag:s22], s20  }
0x9f: {  	s4 =	ssub.s32 $0x0, s20;
	[sflag:s22] =	ssyncset.done $0x0  }
0xa0: {  	[sflag:s22] =	ssyncadd.s32 s4;
	_ =	sdelay $0x1  }
0xa1: {  	s23 =	simm.s32 $0x1B8B  }
0xa2: {  	_ =	swait.ge [sflag:s23], $0x1  }
0xa3: {  	[sflag:s23] =	ssyncset.done $0x0  }
0xa4: {  	s25 =	simm.s32 $0x1B8E;
	s24 =	sld [smem:$0x3FFE];
	[sflag:s23] =	ssyncadd.s32 $0xFFFFFFFF  }
0xa5: {  	s26 =	simm.s32 $execute0_lowered;
	[smem:$0x3FD2] =	sst s25  }
0xa6: {  	s5 =	sshll.u32 s26, $0x1;
	_ =	strace $0x80000049;
	[dreg:$0x1] =	wrdreg $0xFFFFFFFF  }
0xa7: {  	s28 =	simm.s32 $_size_execute0_lowered;
	s3 =	sadd.s32 s3, s5;
	[dreg:$0x0] =	wrdreg $0x0  }
0xa8: {  	s5 =	sshll.u32 s28, $0x1;
	[dreg:$0x2] =	wrdreg s3  }
0xa9: {  	[dreg:$0x3] =	wrdreg s5  }
0xaa: {  	[dreg:$0x4] =	wrdreg $0xC0  }
0xab: {  	_ =	task [dreg:s7], $0x5FFFF  }
0xac: {  	[dreg:$0x1] =	wrdreg $0xFFFFFFFF  }
0xad: {  	[dreg:$0x0] =	wrdreg $0x60  }
0xae: {  	[dreg:$0x2] =	wrdreg s24  }
0xaf: {  	[dreg:$0x3] =	wrdreg s2  }
0xb0: {  	[dreg:$0x4] =	wrdreg $0x41000  }
0xb1: {  	[dreg:$0x5] =	wrdreg $0x9  }
0xb2: {  	_ =	task.clear_ibuf [dreg:s7], $0x6FFFF;
	_ =	strace $0x90000049  }
0xb3: {  	s29 =	simm.s32 $0x9;
	_ =	strace $0x8000004B  }
0xb4: {  	_ =	swait.ge [sflag:s29], $0x1  }
0xb5: {  	[sflag:s29] =	ssyncadd.s32 $0xFFFFFFFF  }
0xb6: {  	_ =	strace $0x9000004B  }
0xb7: {  	_ =	sfence  }
0xb8: {  	s30 =	sld [smem:$0x0];
	_ =	sdelay $0x2  }
0xb9: {  	s31 =	sshll.u32 s1, $0xD;
	s1 =	sshrl.u32 s1, $0x2  }
0xba: {  	s3 =	sand.u32 $0x4000, s31;
	s1 =	sadd.s32 s1, s30  }
0xbb: {  	s0 =	sor.u32 s3, s0;
	s1 =	sshll.u32 s1, $0x11  }
0xbc: {  	s0 =	sor.u32 s1, s0  }
0xbd: {  	s0 =	sadd.s32 $0x8F2B, s0  }
0xbe: {  	[sflag:s0] =	ssyncadd.remote.s32 $0x1  }
0xbf: {  	_ =	sfence.sel $0xFFFF  }
0xc0: {  	[dreg:$0x0] =	wrdreg $0xFFFFFFFF;
	(pc) =	sbr.abs _section_cstart, $3  }
0xc1: {  	[dreg:$0x1] =	wrdreg $0xFFFFFFFF  }
0xc2: {  	_ =	task.clear_ibuf [dreg:s7], $0x2FFFF;
	_ =	strace $0x9FFFFFFF  }
0xc3: {  	(tm) =	ssettm $0x7FFFFFFF  }
tec
execute0_lowered:
.L_overlay_start_1:
0x0: {  	(tag) =	ssettag $0x1  }
0x1: {  	s8 =	rddreg [dreg:$0x0]  }
0x2: {  	s1 =	rddreg [dreg:$0x1]  }
0x3: {  	s2 =	rddreg [dreg:$0x2]  }
0x4: {  	s0 =	rddreg [dreg:$0x3];
	s3 =	simm.s32 $0x0;
	s7 =	srdreg.scid  }
0x5: {  	s4 =	stileid.u32;
	s23 =	simm.s32 $0x1;
	s24 =	simm.s32 $0x0  }
0x6: {  	[smem:$0x7FF] =	sst s3;
	s5 =	sadd.s32 $0xCC00, s8;
	s6 =	sadd.s32 $0x2C00, s8  }
0x7: {  	s9 =	sand.u32 $0x1, s7;
	s7 =	sadd.s32 $0x34C00, s8;
	s11 =	smul.u32 $0x50000, s4  }
0x8: {  	s18 =	sadd.s32 $0x35400, s8;
	s12 =	smul.u32 $0x14000, s4;
	_ =	strace $0x8000004A  }
0x9: {  	s10 =	ssub.s32 $0x2, s9;
	s30 =	sshll.u32 s9, $0x4;
	s20 =	smul.u32 $0x140000, s9  }
0xa: {  	s29 =	sshrl.u32 s10, $0x1;
	s31 =	sshrl.u32 s11, $0x2;
	s13 =	sor.u32 s4, s30  }
0xb: {  	s14 =	sadd.s32 $0x4000, s12;
	s16 =	sadd.s32 $0x8000, s12;
	s17 =	sadd.s32 $0xC000, s12  }
0xc: {  	s21 =	sadd.s32 $0x10000, s12;
	s19 =	ssub.s32 s10, s29;
	s8 =	sadd.s32 s31, s2  }
0xd: {  	s9 =	sadd.s32 s14, s2;
	s10 =	sadd.s32 s16, s2;
	s11 =	sadd.s32 s17, s2  }
0xe: {  	s15 =	sadd.s32 s12, s20;
	s14 =	sadd.s32 s20, s14;
	s12 =	sadd.s32 s21, s2  }
0xf: {  	s13 =	smul.u32 $0x2800, s13;
	s16 =	sadd.s32 s20, s16;
	s17 =	sadd.s32 s20, s17  }
0x10: {  	s20 =	sadd.s32 s20, s21;
	s21 =	simm.s32 $0x2;
	s15 =	sshrl.u32 s15, $0x3  }
0x11: {  	s22 =	sshrl.u32 s14, $0x3;
	s16 =	sshrl.u32 s16, $0x3;
	s17 =	sshrl.u32 s17, $0x3  }
0x12: {  	s20 =	sshrl.u32 s20, $0x3;
	s19 =	smax.u32 s19, $0x1;
	s14 =	sadd.s32 s18, s15  }
0x13: {  	s15 =	sadd.s32 s18, s22;
	s16 =	sadd.s32 s18, s16;
	s17 =	sadd.s32 s18, s17  }
0x14: {  	s18 =	sadd.s32 s18, s20;
	s20 =	simm.s32 $0x100;
	s22 =	simm.s32 $0x80  }
.LBB2_1:
0x15: {  	[tilespmem:s20], [sflag:$0x2] =	stream.linear.gather [hbm4b:s7+s3], $0x4000, $0x38;
	[tilespmem:$0x18100] =	vst v63  }
0x16: {  	_ =	swait.ge [sflag:s21], $0x4000  }
0x17: {  	[sflag:s21] =	ssyncset.done $0x0  }
0x18: {  	[sflag:s21] =	ssyncadd.s32 $0xFFFFC000  }
0x19: {  	[spmem:s8] =	stream.linear.scatter [tilespmem:s20], [sflag:$0x2], $0x4000, $0x38;
	[tilespmem:$0x18100] =	vst v63  }
0x1a: {  	_ =	swait.ge [sflag:s21], $0x4000  }
0x1b: {  	[sflag:s21] =	ssyncset.done $0x0  }
0x1c: {  	[sflag:s21] =	ssyncadd.s32 $0xFFFFC000  }
0x1d: {  	[spmem:s9] =	stream.linear.scatter [tilespmem:s20], [sflag:$0x2], $0x4000, $0x38;
	[tilespmem:$0x18100] =	vst v63  }
0x1e: {  	_ =	swait.ge [sflag:s21], $0x4000  }
0x1f: {  	[sflag:s21] =	ssyncset.done $0x0  }
0x20: {  	[sflag:s21] =	ssyncadd.s32 $0xFFFFC000  }
0x21: {  	[spmem:s10] =	stream.linear.scatter [tilespmem:s20], [sflag:$0x2], $0x4000, $0x38;
	[tilespmem:$0x18100] =	vst v63  }
0x22: {  	_ =	swait.ge [sflag:s21], $0x4000  }
0x23: {  	[sflag:s21] =	ssyncset.done $0x0  }
0x24: {  	[sflag:s21] =	ssyncadd.s32 $0xFFFFC000  }
0x25: {  	[spmem:s11] =	stream.linear.scatter [tilespmem:s20], [sflag:$0x2], $0x4000, $0x38;
	[tilespmem:$0x18100] =	vst v63  }
0x26: {  	_ =	swait.ge [sflag:s21], $0x4000  }
0x27: {  	[sflag:s21] =	ssyncset.done $0x0  }
0x28: {  	s25 =	sand.u32 $0x3C00, s3;
	[sflag:s21] =	ssyncadd.s32 $0xFFFFC000  }
0x29: {  	[spmem:s12] =	stream.linear.scatter [tilespmem:s20], [sflag:$0x2], $0x4000, $0x38;
	[tilespmem:$0x18100] =	vst v63  }
0x2a: {  	s26 =	sand.u32 $0x380, s3;
	s25 =	sadd.s32 s13, s25;
	_ =	swait.ge [sflag:s21], $0x4000  }
0x2b: {  	s25 =	sor.u32 s26, s25;
	[sflag:s21] =	ssyncset.done $0x0  }
0x2c: {  	s25 =	sshrl.u32 s25, $0x3;
	[sflag:s21] =	ssyncadd.s32 $0xFFFFC000  }
0x2d: {  	s29 =	sadd.s32 s1, s25;
	[bflag:$0x0] =	sbarrier.arrive $0xFFFF  }
0x2e: {  	[tilespmem:s3], [sflag:$0x2] =	stream.linear.gather [hbm4b:s29+s3], $0x80, $0x38;
	[tilespmem:$0x18100] =	vst v63  }
0x2f: {  	_ =	swait.ge [sflag:s21], $0x80  }
0x30: {  	[sflag:s21] =	ssyncset.done $0x0  }
0x31: {  	s25 =	sadd.s32 s6, s25;
	[sflag:s21] =	ssyncadd.s32 $0xFFFFFF80  }
0x32: {  	[tilespmem:s22], [sflag:$0x2] =	stream.linear.gather [hbm4b:s25+s3], $0x80, $0x38;
	[tilespmem:$0x18100] =	vst v63  }
0x33: {  	_ =	swait.ge [sflag:s21], $0x80  }
0x34: {  	[sflag:s21] =	ssyncset.done $0x0  }
0x35: {  	[sflag:s21] =	ssyncadd.s32 $0xFFFFFF80  }
0x36: {  	[tilespmem:s20], [sflag:$0x1] =	stream.indirect.gather [hbm4b:s5+s22], $0x80, s3, s22, $0xb8;
	[tilespmem:$0x18100] =	vst v63  }
0x37: {  	_ =	swait.ge [sflag:s23], $0x4000  }
0x38: {  	s30 =	simm.s32 $0x80;
	[sflag:s23] =	ssyncset.done $0x0  }
0x39: {  	s31 =	sand.u32 $0x3C00, s30;
	[sflag:s23] =	ssyncadd.s32 $0xFFFFC000  }
0x3a: {  	[spmem:s2] =	stream.indirect.scatter.add.f32 [tilespmem:s20], [sflag:$0x2], $0x80, s22, s22, $0xb8;
	[tilespmem:$0x18100] =	vst v63  }
0x3b: {  	s28 =	sand.u32 $0x380, s30;
	s26 =	sadd.s32 s13, s31;
	_ =	swait.ge [sflag:s21], $0x4000  }
0x3c: {  	s26 =	sor.u32 s28, s26;
	s25 =	simm.s32 $0x100;
	[sflag:s21] =	ssyncset.done $0x0  }
.LBB2_2:
0x3d: {  	s26 =	sshrl.u32 s26, $0x3  }
0x3e: {  	[sflag:s21] =	ssyncadd.s32 $0xFFFFC000;
	s28 =	smov.u32 s25;
	s29 =	sadd.s32 $0x80, s25  }
0x3f: {  	p0 =	sne.s32 s25, $0x2700;
	s25 =	sadd.s32 s1, s26  }
0x40: {  	[tilespmem:s3], [sflag:$0x2] =	stream.linear.gather [hbm4b:s25+s3], $0x80, $0x38;
	[tilespmem:$0x18100] =	vst v63  }
0x41: {  	_ =	swait.ge [sflag:s21], $0x80  }
0x42: {  	[sflag:s21] =	ssyncset.done $0x0  }
0x43: {  	s25 =	sadd.s32 s6, s26;
	[sflag:s21] =	ssyncadd.s32 $0xFFFFFF80  }
0x44: {  	[tilespmem:s22], [sflag:$0x2] =	stream.linear.gather [hbm4b:s25+s3], $0x80, $0x38;
	[tilespmem:$0x18100] =	vst v63  }
0x45: {  	_ =	swait.ge [sflag:s21], $0x80  }
0x46: {  	[sflag:s21] =	ssyncset.done $0x0  }
0x47: {  	[sflag:s21] =	ssyncadd.s32 $0xFFFFFF80  }
0x48: {  	[tilespmem:s20], [sflag:$0x1] =	stream.indirect.gather [hbm4b:s5+s22], $0x80, s3, s22, $0xb8;
	[tilespmem:$0x18100] =	vst v63  }
0x49: {  	_ =	swait.ge [sflag:s23], $0x4000  }
.Ltmp0:
0x4a: {  	[sflag:s23] =	ssyncset.done $0x0;
	(pc) =	sbr.rel @p0 .LBB2_2-.Ltmp0, $4  }
0x4b: {  	s25 =	sand.u32 $0x3C00, s28;
	[sflag:s23] =	ssyncadd.s32 $0xFFFFC000  }
0x4c: {  	[spmem:s2] =	stream.indirect.scatter.add.f32 [tilespmem:s20], [sflag:$0x2], $0x80, s22, s22, $0xb8;
	[tilespmem:$0x18100] =	vst v63  }
0x4d: {  	s26 =	sand.u32 $0x380, s28;
	s25 =	sadd.s32 s13, s25;
	_ =	swait.ge [sflag:s21], $0x4000  }
0x4e: {  	s26 =	sor.u32 s26, s25;
	s25 =	smov.u32 s29;
	[sflag:s21] =	ssyncset.done $0x0  }
0x4f: {  	s25 =	sshrl.u32 s26, $0x3  }
0x50: {  	[sflag:s21] =	ssyncadd.s32 $0xFFFFC000;
	s26 =	sadd.s32 s1, s25  }
0x51: {  	[tilespmem:s3], [sflag:$0x2] =	stream.linear.gather [hbm4b:s26+s3], $0x80, $0x38;
	[tilespmem:$0x18100] =	vst v63  }
0x52: {  	_ =	swait.ge [sflag:s21], $0x80  }
0x53: {  	[sflag:s21] =	ssyncset.done $0x0  }
0x54: {  	s25 =	sadd.s32 s6, s25;
	[sflag:s21] =	ssyncadd.s32 $0xFFFFFF80  }
0x55: {  	[tilespmem:s22], [sflag:$0x2] =	stream.linear.gather [hbm4b:s25+s3], $0x80, $0x38;
	[tilespmem:$0x18100] =	vst v63  }
0x56: {  	_ =	swait.ge [sflag:s21], $0x80  }
0x57: {  	[sflag:s21] =	ssyncset.done $0x0  }
0x58: {  	[sflag:s21] =	ssyncadd.s32 $0xFFFFFF80  }
0x59: {  	[tilespmem:s20], [sflag:$0x1] =	stream.indirect.gather [hbm4b:s5+s22], $0x80, s3, s22, $0xb8;
	[tilespmem:$0x18100] =	vst v63  }
0x5a: {  	_ =	swait.ge [sflag:s23], $0x4000  }
0x5b: {  	[sflag:s23] =	ssyncset.done $0x0  }
0x5c: {  	[sflag:s23] =	ssyncadd.s32 $0xFFFFC000  }
0x5d: {  	[spmem:s2] =	stream.indirect.scatter.add.f32 [tilespmem:s20], [sflag:$0x2], $0x80, s22, s22, $0xb8;
	[tilespmem:$0x18100] =	vst v63  }
0x5e: {  	_ =	swait.ge [sflag:s21], $0x4000  }
0x5f: {  	[sflag:s21] =	ssyncset.done $0x0  }
0x60: {  	[sflag:s21] =	ssyncadd.s32 $0xFFFFC000  }
0x61: {  	[bflag:$0x0] =	sbarrier.arrive $0xFFFF  }
0x62: {  	[tilespmem:s20], [sflag:$0x2] =	stream.linear.gather [spmem:s8], $0x4000, $0x38;
	[tilespmem:$0x18100] =	vst v63  }
0x63: {  	_ =	swait.ge [sflag:s21], $0x4000  }
0x64: {  	[sflag:s21] =	ssyncset.done $0x0  }
0x65: {  	[sflag:s21] =	ssyncadd.s32 $0xFFFFC000  }
0x66: {  	[hbm4b:s14+s3] =	stream.linear.scatter [tilespmem:s20], [sflag:$0x2], $0x4000, $0x38;
	[tilespmem:$0x18100] =	vst v63  }
0x67: {  	_ =	swait.ge [sflag:s21], $0x4000  }
0x68: {  	[sflag:s21] =	ssyncset.done $0x0  }
0x69: {  	[sflag:s21] =	ssyncadd.s32 $0xFFFFC000  }
0x6a: {  	[tilespmem:s20], [sflag:$0x2] =	stream.linear.gather [spmem:s9], $0x4000, $0x38;
	[tilespmem:$0x18100] =	vst v63  }
0x6b: {  	_ =	swait.ge [sflag:s21], $0x4000  }
0x6c: {  	[sflag:s21] =	ssyncset.done $0x0  }
0x6d: {  	[sflag:s21] =	ssyncadd.s32 $0xFFFFC000  }
0x6e: {  	[hbm4b:s15+s3] =	stream.linear.scatter [tilespmem:s20], [sflag:$0x2], $0x4000, $0x38;
	[tilespmem:$0x18100] =	vst v63  }
0x6f: {  	_ =	swait.ge [sflag:s21], $0x4000  }
0x70: {  	[sflag:s21] =	ssyncset.done $0x0  }
0x71: {  	[sflag:s21] =	ssyncadd.s32 $0xFFFFC000  }
0x72: {  	[tilespmem:s20], [sflag:$0x2] =	stream.linear.gather [spmem:s10], $0x4000, $0x38;
	[tilespmem:$0x18100] =	vst v63  }
0x73: {  	_ =	swait.ge [sflag:s21], $0x4000  }
0x74: {  	[sflag:s21] =	ssyncset.done $0x0  }
0x75: {  	[sflag:s21] =	ssyncadd.s32 $0xFFFFC000  }
0x76: {  	[hbm4b:s16+s3] =	stream.linear.scatter [tilespmem:s20], [sflag:$0x2], $0x4000, $0x38;
	[tilespmem:$0x18100] =	vst v63  }
0x77: {  	_ =	swait.ge [sflag:s21], $0x4000  }
0x78: {  	[sflag:s21] =	ssyncset.done $0x0  }
0x79: {  	[sflag:s21] =	ssyncadd.s32 $0xFFFFC000  }
0x7a: {  	[tilespmem:s20], [sflag:$0x2] =	stream.linear.gather [spmem:s11], $0x4000, $0x38;
	[tilespmem:$0x18100] =	vst v63  }
0x7b: {  	_ =	swait.ge [sflag:s21], $0x4000  }
0x7c: {  	[sflag:s21] =	ssyncset.done $0x0  }
0x7d: {  	[sflag:s21] =	ssyncadd.s32 $0xFFFFC000  }
0x7e: {  	[hbm4b:s17+s3] =	stream.linear.scatter [tilespmem:s20], [sflag:$0x2], $0x4000, $0x38;
	[tilespmem:$0x18100] =	vst v63  }
0x7f: {  	_ =	swait.ge [sflag:s21], $0x4000  }
0x80: {  	[sflag:s21] =	ssyncset.done $0x0  }
0x81: {  	[sflag:s21] =	ssyncadd.s32 $0xFFFFC000  }
0x82: {  	[tilespmem:s20], [sflag:$0x2] =	stream.linear.gather [spmem:s12], $0x4000, $0x38;
	[tilespmem:$0x18100] =	vst v63  }
0x83: {  	s24 =	sadd.s32 $0x1, s24;
	_ =	swait.ge [sflag:s21], $0x4000  }
0x84: {  	p0 =	sne.s32 s24, s19;
	[sflag:s21] =	ssyncset.done $0x0  }
.Ltmp1:
0x85: {  	[sflag:s21] =	ssyncadd.s32 $0xFFFFC000;
	(pc) =	sbr.rel @p0 .LBB2_1-.Ltmp1, $4  }
0x86: {  	[hbm4b:s18+s3] =	stream.linear.scatter [tilespmem:s20], [sflag:$0x2], $0x4000, $0x38;
	[tilespmem:$0x18100] =	vst v63  }
0x87: {  	_ =	swait.ge [sflag:s21], $0x4000  }
0x88: {  	[sflag:s21] =	ssyncset.done $0x0  }
0x89: {  	[sflag:s21] =	ssyncadd.s32 $0xFFFFC000  }
0x8a: {  	_ =	sfence.sel $0x180000  }
0x8b: {  	[bflag:$0x0] =	sbarrier.arrive $0xFFFF  }
0x8c: {  	p0 =	sne.s32 s4, $0x0;
	_ =	strace $0x9000004A  }
0x8d: {  	s0 =	sadd.s32 @!p0 $0x100000, s0;
	[bflag:$0x2] =	sbarrier.arrive $0xFFFF  }
0x8e: {  	[sflag:s0] =	ssyncadd.tile.s32 @!p0 $0x1;
	_ =	shalt  }
.Lfunc_end2:
_tile_overlayer_lowered:
.L_overlay_start_2:
0x8f: {  	(tag) =	ssettag $0x2  }
0x90: {  	s0 =	rddreg [dreg:$0x0];
	s2 =	stileid.u32  }
0x91: {  	s1 =	rddreg [dreg:$0x1];
	p0 =	sne.s32 s2, $0x0  }
0x92: {  	s3 =	rddreg [dreg:$0x2];
	[bflag:$0x3] =	sbarrier.arrive $0xFFFF;
	s2 =	simm.s32 @!p0 $0x1C02  }
0x93: {  	[timem:s3], [sflag:s2] =	dma.local @!p0 [hbm:s0], s1  }
0x94: {  	s0 =	simm.s32 @!p0 $0x2  }
0x95: {  	_ =	swait.ge @!p0 [sflag:s0], s1  }
0x96: {  	s1 =	ssub.s32 @!p0 $0x0, s1;
	[sflag:s0] =	ssyncset.done @!p0 $0x0  }
0x97: {  	[sflag:s0] =	ssyncadd.s32 @!p0 s1  }
0x98: {  	[bflag:$0x3] =	sbarrier.arrive $0xFFFF  }
0x99: {  	_ =	shalt  }

</sc_bundles>
